<compile_context>
chip_gen: v7x
topology: tpu7x:2x2x1
jax: 0.10.2.dev20260603
libtpu: 0.0.44.dev20260713+nightly
codegen_flags: <defaults>
</compile_context>

<pallas_src>
import functools

import jax
import jax.numpy as jnp
from jax import lax
from jax.experimental import pallas as pl
from jax.experimental.pallas import tpu as pltpu
from jax.experimental.pallas import tpu_sc as plsc

NUM_CORES = 2
NUM_SUBCORES = 16
NUM_WORKERS = NUM_CORES * NUM_SUBCORES


@functools.cache
def _make_kernel(n_rows, seq_len, embed, chunk_rows):
  assert n_rows % (NUM_WORKERS * chunk_rows) == 0
  assert chunk_rows % seq_len == 0
  rows_per_worker = n_rows // NUM_WORKERS
  n_chunks = rows_per_worker // chunk_rows
  seqs_per_chunk = chunk_rows // seq_len
  assert n_chunks >= 2

  mesh = plsc.VectorSubcoreMesh(
      core_axis_name="c", subcore_axis_name="s",
      num_cores=NUM_CORES, num_subcores=NUM_SUBCORES)

  @functools.partial(
      pl.kernel,
      out_type=jax.ShapeDtypeStruct((n_rows, embed), jnp.float32),
      mesh=mesh,
      compiler_params=pltpu.CompilerParams(use_tc_tiling_on_sc=False),
      scratch_types=[
          pltpu.VMEM((2 * chunk_rows,), jnp.int32),
          pltpu.VMEM((2 * chunk_rows, embed), jnp.float32),
          pltpu.VMEM_SHARED((chunk_rows, embed), jnp.float32),
          pltpu.SemaphoreType.DMA((2,)),
          pltpu.SemaphoreType.DMA((2,)),
      ],
  )
  def k(table_hbm, idx_hbm, pos_hbm, out_hbm, idx_v, rows_v, pos_sh,
        gsem, wsem):
    sid = lax.axis_index("s")
    wid = sid * NUM_CORES + lax.axis_index("c")
    base = wid * rows_per_worker

    @pl.when(sid == 0)
    def _():
      for s in range(seqs_per_chunk):
        pltpu.sync_copy(pos_hbm,
                        pos_sh.at[pl.ds(s * seq_len, seq_len)])

    plsc.subcore_barrier()

    def load_idx(c, buf):
      src = pl.multiple_of(base + c * chunk_rows, chunk_rows)
      dst = pl.multiple_of(buf * chunk_rows, chunk_rows)
      pltpu.sync_copy(idx_hbm.at[pl.ds(src, chunk_rows)],
                      idx_v.at[pl.ds(dst, chunk_rows)])

    def prefill(buf):
      dst = pl.multiple_of(buf * chunk_rows, chunk_rows)
      pltpu.sync_copy(pos_sh, rows_v.at[pl.ds(dst, chunk_rows)])

    def fire_gather(buf):
      off = pl.multiple_of(buf * chunk_rows, chunk_rows)
      pltpu.async_copy(table_hbm.at[idx_v.at[pl.ds(off, chunk_rows)]],
                       rows_v.at[pl.ds(off, chunk_rows)], gsem.at[buf],
                       add=True)

    def drain_gather(buf):
      off = pl.multiple_of(buf * chunk_rows, chunk_rows)
      pltpu.make_async_copy(table_hbm.at[pl.ds(0, chunk_rows)],
                            rows_v.at[pl.ds(off, chunk_rows)],
                            gsem.at[buf]).wait()

    def fire_write(c, buf):
      src = pl.multiple_of(buf * chunk_rows, chunk_rows)
      dst = pl.multiple_of(base + c * chunk_rows, chunk_rows)
      pltpu.async_copy(rows_v.at[pl.ds(src, chunk_rows)],
                       out_hbm.at[pl.ds(dst, chunk_rows)], wsem.at[buf])

    def drain_write(buf):
      src = pl.multiple_of(buf * chunk_rows, chunk_rows)
      pltpu.make_async_copy(rows_v.at[pl.ds(src, chunk_rows)],
                            out_hbm.at[pl.ds(0, chunk_rows)],
                            wsem.at[buf]).wait()

    load_idx(0, 0)
    prefill(0)
    fire_gather(0)
    load_idx(1, 1)

    def body(c, _):
      buf = lax.rem(c, 2)
      nxt = 1 - buf
      drain_gather(buf)
      fire_write(c, buf)

      @pl.when(c + 2 < n_chunks)
      def _():
        load_idx(c + 2, buf)

      @pl.when(c + 1 < n_chunks)
      def _():
        @pl.when(c > 0)
        def _():
          drain_write(nxt)
        prefill(nxt)
        fire_gather(nxt)

      return ()

    lax.fori_loop(0, n_chunks, body, (), unroll=False)
    drain_write(0)
    drain_write(1)

  return k


def kernel(inputs, token_table, pos_table):
  batch, seq_len = inputs.shape
  _, embed = token_table.shape
  n_rows = batch * seq_len
  idx = inputs.reshape(n_rows).astype(jnp.int32)
  k = _make_kernel(n_rows, seq_len, embed, chunk_rows=1600)
  out = k(token_table, idx, pos_table)
  return out.reshape(batch, seq_len, embed)

# --- scband reference (transcript-rebuilt; emitter-appended) ---
"""Pipeline reference for scband-positional-embedding-17617955848514 (READ-ONLY COPY).

The authoritative reference and input builder live on the scoring server;
editing this copy changes nothing except your own understanding.
"""

import jax, jax.numpy as jnp
import numpy as np

VOCAB = 1000000
SEQ_LEN = 200
EMBED = 32
BATCH = 4096

def setup_inputs(seed: int = 0) -> dict:
    key = jax.random.key(seed)
    k1, k2, k3 = jax.random.split(key, 3)
    inputs = jax.random.randint(k1, (BATCH, SEQ_LEN), 0, VOCAB, dtype=jnp.int64 if jax.config.jax_enable_x64 else jnp.int32)
    token_table = jax.random.normal(k2, (VOCAB, EMBED), dtype=jnp.float32) * 0.05
    pos_table = jax.random.normal(k3, (SEQ_LEN, EMBED), dtype=jnp.float32) * 0.05
    return {"inputs": inputs, "token_table": token_table, "pos_table": pos_table}

def reference(inputs, token_table, pos_table):
    # PositionalEmbedding.call: token embedding lookup + positional embedding lookup
    length = inputs.shape[-1]
    positions = jnp.arange(0, length)
    embedded_tokens = jnp.take(token_table, inputs, axis=0)          # [B, L, D]
    embedded_positions = jnp.take(pos_table, positions, axis=0)      # [L, D]
    return embedded_tokens + embedded_positions[None, :, :]

if __name__ == "__main__":
    import jax
    _d = setup_inputs()
    print(jax.jit(kernel)(*tuple(_d.values())))

</pallas_src>

<mosaic_0001>
#map = affine_map<(d0, d1) -> (0, 0)>
#map1 = affine_map<(d0, d1) -> (0)>
module attributes {stable_mosaic.version = 14 : i64} {
  func.func @k(%arg0: i32, %arg1: i32, %arg2: memref<1000000x32xf32, #tpu.memory_space<hbm>>, %arg3: memref<819200xi32, #tpu.memory_space<hbm>>, %arg4: memref<200x32xf32, #tpu.memory_space<hbm>>, %arg5: memref<819200x32xf32, #tpu.memory_space<hbm>>, %arg6: memref<3200xi32, #tpu.memory_space<vmem>>, %arg7: memref<3200x32xf32, #tpu.memory_space<vmem>>, %arg8: memref<1600x32xf32, #tpu.memory_space<vmem_shared>>, %arg9: memref<2x!tpu.dma_semaphore, #tpu.memory_space<semaphore_mem>>, %arg10: memref<2x!tpu.dma_semaphore, #tpu.memory_space<semaphore_mem>>) attributes {dimension_semantics = [#tpu.dimension_semantics<core_parallel>, #tpu.dimension_semantics<subcore_parallel>], iteration_bounds = array<i64: 2, 16>, scalar_prefetch = 0 : i64, scratch_operands = 5 : i64, tpu.core_type = #tpu.core_type<sc_vector_subcore>, window_params = [{transform_indices = #map}, {transform_indices = #map1}, {transform_indices = #map}, {transform_indices = #map}]} {
    %mul3A = arith.constant 2 : i32
    %mul3A_0 = arith.muli %arg1, %mul3A : i32
    %add3A = arith.addi %mul3A_0, %arg0 : i32
    %mul3A_1 = arith.constant 25600 : i32
    %mul3A_2 = arith.muli %add3A, %mul3A_1 : i32
    %eq3A = arith.constant 0 : i32
    %eq3A_3 = arith.cmpi eq, %arg1, %eq3A : i32
    %convert_element_type3A = arith.extui %eq3A_3 : i1 to i32
    %cond3A = arith.constant 0 : i32
    %cond3A_4 = arith.cmpi ne, %convert_element_type3A, %cond3A : i32
    scf.if %cond3A_4 {
      "tpu.region"() ({
        %run_scoped3A = tpu.sem_alloc : memref<!tpu.dma_semaphore, #tpu.memory_space<semaphore_mem>>
        %dma_start3A_59 = arith.constant 0 : i32
        %dma_start3A_60 = arith.constant 0 : i32
        %dma_start3A_61 = tpu.memref_slice %arg8[%dma_start3A_59, %dma_start3A_60] : memref<1600x32xf32, #tpu.memory_space<vmem_shared>> -> memref<200x32xf32, #tpu.memory_space<vmem_shared>>
        tpu.enqueue_dma source(%arg4 : memref<200x32xf32, #tpu.memory_space<hbm>>) target(%dma_start3A_61 : memref<200x32xf32, #tpu.memory_space<vmem_shared>>) target_semaphore(%run_scoped3A : memref<!tpu.dma_semaphore, #tpu.memory_space<semaphore_mem>>)
        %dma_wait3A_62 = arith.constant 0 : i32
        %dma_wait3A_63 = arith.constant 0 : i32
        %dma_wait3A_64 = tpu.memref_slice %arg8[%dma_wait3A_62, %dma_wait3A_63] : memref<1600x32xf32, #tpu.memory_space<vmem_shared>> -> memref<200x32xf32, #tpu.memory_space<vmem_shared>>
        tpu.wait_dma2 semaphore(%run_scoped3A : memref<!tpu.dma_semaphore, #tpu.memory_space<semaphore_mem>>) src(%arg4 : memref<200x32xf32, #tpu.memory_space<hbm>>) dst(%dma_wait3A_64 : memref<200x32xf32, #tpu.memory_space<vmem_shared>>)
        tpu.yield
      }) : () -> ()
      "tpu.region"() ({
        %run_scoped3A = tpu.sem_alloc : memref<!tpu.dma_semaphore, #tpu.memory_space<semaphore_mem>>
        %dma_start3A_59 = arith.constant 200 : i32
        %dma_start3A_60 = arith.constant 0 : i32
        %dma_start3A_61 = tpu.memref_slice %arg8[%dma_start3A_59, %dma_start3A_60] : memref<1600x32xf32, #tpu.memory_space<vmem_shared>> -> memref<200x32xf32, #tpu.memory_space<vmem_shared>>
        tpu.enqueue_dma source(%arg4 : memref<200x32xf32, #tpu.memory_space<hbm>>) target(%dma_start3A_61 : memref<200x32xf32, #tpu.memory_space<vmem_shared>>) target_semaphore(%run_scoped3A : memref<!tpu.dma_semaphore, #tpu.memory_space<semaphore_mem>>)
        %dma_wait3A_62 = arith.constant 200 : i32
        %dma_wait3A_63 = arith.constant 0 : i32
        %dma_wait3A_64 = tpu.memref_slice %arg8[%dma_wait3A_62, %dma_wait3A_63] : memref<1600x32xf32, #tpu.memory_space<vmem_shared>> -> memref<200x32xf32, #tpu.memory_space<vmem_shared>>
        tpu.wait_dma2 semaphore(%run_scoped3A : memref<!tpu.dma_semaphore, #tpu.memory_space<semaphore_mem>>) src(%arg4 : memref<200x32xf32, #tpu.memory_space<hbm>>) dst(%dma_wait3A_64 : memref<200x32xf32, #tpu.memory_space<vmem_shared>>)
        tpu.yield
      }) : () -> ()
      "tpu.region"() ({
        %run_scoped3A = tpu.sem_alloc : memref<!tpu.dma_semaphore, #tpu.memory_space<semaphore_mem>>
        %dma_start3A_59 = arith.constant 400 : i32
        %dma_start3A_60 = arith.constant 0 : i32
        %dma_start3A_61 = tpu.memref_slice %arg8[%dma_start3A_59, %dma_start3A_60] : memref<1600x32xf32, #tpu.memory_space<vmem_shared>> -> memref<200x32xf32, #tpu.memory_space<vmem_shared>>
        tpu.enqueue_dma source(%arg4 : memref<200x32xf32, #tpu.memory_space<hbm>>) target(%dma_start3A_61 : memref<200x32xf32, #tpu.memory_space<vmem_shared>>) target_semaphore(%run_scoped3A : memref<!tpu.dma_semaphore, #tpu.memory_space<semaphore_mem>>)
        %dma_wait3A_62 = arith.constant 400 : i32
        %dma_wait3A_63 = arith.constant 0 : i32
        %dma_wait3A_64 = tpu.memref_slice %arg8[%dma_wait3A_62, %dma_wait3A_63] : memref<1600x32xf32, #tpu.memory_space<vmem_shared>> -> memref<200x32xf32, #tpu.memory_space<vmem_shared>>
        tpu.wait_dma2 semaphore(%run_scoped3A : memref<!tpu.dma_semaphore, #tpu.memory_space<semaphore_mem>>) src(%arg4 : memref<200x32xf32, #tpu.memory_space<hbm>>) dst(%dma_wait3A_64 : memref<200x32xf32, #tpu.memory_space<vmem_shared>>)
        tpu.yield
      }) : () -> ()
      "tpu.region"() ({
        %run_scoped3A = tpu.sem_alloc : memref<!tpu.dma_semaphore, #tpu.memory_space<semaphore_mem>>
        %dma_start3A_59 = arith.constant 600 : i32
        %dma_start3A_60 = arith.constant 0 : i32
        %dma_start3A_61 = tpu.memref_slice %arg8[%dma_start3A_59, %dma_start3A_60] : memref<1600x32xf32, #tpu.memory_space<vmem_shared>> -> memref<200x32xf32, #tpu.memory_space<vmem_shared>>
        tpu.enqueue_dma source(%arg4 : memref<200x32xf32, #tpu.memory_space<hbm>>) target(%dma_start3A_61 : memref<200x32xf32, #tpu.memory_space<vmem_shared>>) target_semaphore(%run_scoped3A : memref<!tpu.dma_semaphore, #tpu.memory_space<semaphore_mem>>)
        %dma_wait3A_62 = arith.constant 600 : i32
        %dma_wait3A_63 = arith.constant 0 : i32
        %dma_wait3A_64 = tpu.memref_slice %arg8[%dma_wait3A_62, %dma_wait3A_63] : memref<1600x32xf32, #tpu.memory_space<vmem_shared>> -> memref<200x32xf32, #tpu.memory_space<vmem_shared>>
        tpu.wait_dma2 semaphore(%run_scoped3A : memref<!tpu.dma_semaphore, #tpu.memory_space<semaphore_mem>>) src(%arg4 : memref<200x32xf32, #tpu.memory_space<hbm>>) dst(%dma_wait3A_64 : memref<200x32xf32, #tpu.memory_space<vmem_shared>>)
        tpu.yield
      }) : () -> ()
      "tpu.region"() ({
        %run_scoped3A = tpu.sem_alloc : memref<!tpu.dma_semaphore, #tpu.memory_space<semaphore_mem>>
        %dma_start3A_59 = arith.constant 800 : i32
        %dma_start3A_60 = arith.constant 0 : i32
        %dma_start3A_61 = tpu.memref_slice %arg8[%dma_start3A_59, %dma_start3A_60] : memref<1600x32xf32, #tpu.memory_space<vmem_shared>> -> memref<200x32xf32, #tpu.memory_space<vmem_shared>>
        tpu.enqueue_dma source(%arg4 : memref<200x32xf32, #tpu.memory_space<hbm>>) target(%dma_start3A_61 : memref<200x32xf32, #tpu.memory_space<vmem_shared>>) target_semaphore(%run_scoped3A : memref<!tpu.dma_semaphore, #tpu.memory_space<semaphore_mem>>)
        %dma_wait3A_62 = arith.constant 800 : i32
        %dma_wait3A_63 = arith.constant 0 : i32
        %dma_wait3A_64 = tpu.memref_slice %arg8[%dma_wait3A_62, %dma_wait3A_63] : memref<1600x32xf32, #tpu.memory_space<vmem_shared>> -> memref<200x32xf32, #tpu.memory_space<vmem_shared>>
        tpu.wait_dma2 semaphore(%run_scoped3A : memref<!tpu.dma_semaphore, #tpu.memory_space<semaphore_mem>>) src(%arg4 : memref<200x32xf32, #tpu.memory_space<hbm>>) dst(%dma_wait3A_64 : memref<200x32xf32, #tpu.memory_space<vmem_shared>>)
        tpu.yield
      }) : () -> ()
      "tpu.region"() ({
        %run_scoped3A = tpu.sem_alloc : memref<!tpu.dma_semaphore, #tpu.memory_space<semaphore_mem>>
        %dma_start3A_59 = arith.constant 1000 : i32
        %dma_start3A_60 = arith.constant 0 : i32
        %dma_start3A_61 = tpu.memref_slice %arg8[%dma_start3A_59, %dma_start3A_60] : memref<1600x32xf32, #tpu.memory_space<vmem_shared>> -> memref<200x32xf32, #tpu.memory_space<vmem_shared>>
        tpu.enqueue_dma source(%arg4 : memref<200x32xf32, #tpu.memory_space<hbm>>) target(%dma_start3A_61 : memref<200x32xf32, #tpu.memory_space<vmem_shared>>) target_semaphore(%run_scoped3A : memref<!tpu.dma_semaphore, #tpu.memory_space<semaphore_mem>>)
        %dma_wait3A_62 = arith.constant 1000 : i32
        %dma_wait3A_63 = arith.constant 0 : i32
        %dma_wait3A_64 = tpu.memref_slice %arg8[%dma_wait3A_62, %dma_wait3A_63] : memref<1600x32xf32, #tpu.memory_space<vmem_shared>> -> memref<200x32xf32, #tpu.memory_space<vmem_shared>>
        tpu.wait_dma2 semaphore(%run_scoped3A : memref<!tpu.dma_semaphore, #tpu.memory_space<semaphore_mem>>) src(%arg4 : memref<200x32xf32, #tpu.memory_space<hbm>>) dst(%dma_wait3A_64 : memref<200x32xf32, #tpu.memory_space<vmem_shared>>)
        tpu.yield
      }) : () -> ()
      "tpu.region"() ({
        %run_scoped3A = tpu.sem_alloc : memref<!tpu.dma_semaphore, #tpu.memory_space<semaphore_mem>>
        %dma_start3A_59 = arith.constant 1200 : i32
        %dma_start3A_60 = arith.constant 0 : i32
        %dma_start3A_61 = tpu.memref_slice %arg8[%dma_start3A_59, %dma_start3A_60] : memref<1600x32xf32, #tpu.memory_space<vmem_shared>> -> memref<200x32xf32, #tpu.memory_space<vmem_shared>>
        tpu.enqueue_dma source(%arg4 : memref<200x32xf32, #tpu.memory_space<hbm>>) target(%dma_start3A_61 : memref<200x32xf32, #tpu.memory_space<vmem_shared>>) target_semaphore(%run_scoped3A : memref<!tpu.dma_semaphore, #tpu.memory_space<semaphore_mem>>)
        %dma_wait3A_62 = arith.constant 1200 : i32
        %dma_wait3A_63 = arith.constant 0 : i32
        %dma_wait3A_64 = tpu.memref_slice %arg8[%dma_wait3A_62, %dma_wait3A_63] : memref<1600x32xf32, #tpu.memory_space<vmem_shared>> -> memref<200x32xf32, #tpu.memory_space<vmem_shared>>
        tpu.wait_dma2 semaphore(%run_scoped3A : memref<!tpu.dma_semaphore, #tpu.memory_space<semaphore_mem>>) src(%arg4 : memref<200x32xf32, #tpu.memory_space<hbm>>) dst(%dma_wait3A_64 : memref<200x32xf32, #tpu.memory_space<vmem_shared>>)
        tpu.yield
      }) : () -> ()
      "tpu.region"() ({
        %run_scoped3A = tpu.sem_alloc : memref<!tpu.dma_semaphore, #tpu.memory_space<semaphore_mem>>
        %dma_start3A_59 = arith.constant 1400 : i32
        %dma_start3A_60 = arith.constant 0 : i32
        %dma_start3A_61 = tpu.memref_slice %arg8[%dma_start3A_59, %dma_start3A_60] : memref<1600x32xf32, #tpu.memory_space<vmem_shared>> -> memref<200x32xf32, #tpu.memory_space<vmem_shared>>
        tpu.enqueue_dma source(%arg4 : memref<200x32xf32, #tpu.memory_space<hbm>>) target(%dma_start3A_61 : memref<200x32xf32, #tpu.memory_space<vmem_shared>>) target_semaphore(%run_scoped3A : memref<!tpu.dma_semaphore, #tpu.memory_space<semaphore_mem>>)
        %dma_wait3A_62 = arith.constant 1400 : i32
        %dma_wait3A_63 = arith.constant 0 : i32
        %dma_wait3A_64 = tpu.memref_slice %arg8[%dma_wait3A_62, %dma_wait3A_63] : memref<1600x32xf32, #tpu.memory_space<vmem_shared>> -> memref<200x32xf32, #tpu.memory_space<vmem_shared>>
        tpu.wait_dma2 semaphore(%run_scoped3A : memref<!tpu.dma_semaphore, #tpu.memory_space<semaphore_mem>>) src(%arg4 : memref<200x32xf32, #tpu.memory_space<hbm>>) dst(%dma_wait3A_64 : memref<200x32xf32, #tpu.memory_space<vmem_shared>>)
        tpu.yield
      }) : () -> ()
    } else {
    }
    %barrier3A = arith.constant 0 : index
    tpu.barrier barrier_id(%barrier3A)
    %add3A_5 = arith.constant 0 : i32
    %add3A_6 = arith.addi %mul3A_2, %add3A_5 : i32
    %multiple_of3A = tpu.assume_multiple %add3A_6, 1600 : i32
    %multiple_of3A_7 = arith.constant 0 : i32
    %multiple_of3A_8 = tpu.assume_multiple %multiple_of3A_7, 1600 : i32
    "tpu.region"() ({
      %run_scoped3A = tpu.sem_alloc : memref<!tpu.dma_semaphore, #tpu.memory_space<semaphore_mem>>
      %dma_start3A_59 = tpu.memref_slice %arg6[%multiple_of3A_8] : memref<3200xi32, #tpu.memory_space<vmem>> -> memref<1600xi32, #tpu.memory_space<vmem>>
      %dma_start3A_60 = tpu.memref_slice %arg3[%multiple_of3A] : memref<819200xi32, #tpu.memory_space<hbm>> -> memref<1600xi32, #tpu.memory_space<hbm>>
      %dma_start3A_61 = tpu.memref_slice %arg6[%multiple_of3A_8] : memref<3200xi32, #tpu.memory_space<vmem>> -> memref<1600xi32, #tpu.memory_space<vmem>>
      %dma_start3A_62 = tpu.memref_slice %arg3[%multiple_of3A] : memref<819200xi32, #tpu.memory_space<hbm>> -> memref<1600xi32, #tpu.memory_space<hbm>>
      tpu.enqueue_dma source(%dma_start3A_62 : memref<1600xi32, #tpu.memory_space<hbm>>) target(%dma_start3A_61 : memref<1600xi32, #tpu.memory_space<vmem>>) target_semaphore(%run_scoped3A : memref<!tpu.dma_semaphore, #tpu.memory_space<semaphore_mem>>)
      %dma_wait3A_63 = tpu.memref_slice %arg6[%multiple_of3A_8] : memref<3200xi32, #tpu.memory_space<vmem>> -> memref<1600xi32, #tpu.memory_space<vmem>>
      %dma_wait3A_64 = tpu.memref_slice %arg3[%multiple_of3A] : memref<819200xi32, #tpu.memory_space<hbm>> -> memref<1600xi32, #tpu.memory_space<hbm>>
      %dma_wait3A_65 = tpu.memref_slice %arg6[%multiple_of3A_8] : memref<3200xi32, #tpu.memory_space<vmem>> -> memref<1600xi32, #tpu.memory_space<vmem>>
      %dma_wait3A_66 = tpu.memref_slice %arg3[%multiple_of3A] : memref<819200xi32, #tpu.memory_space<hbm>> -> memref<1600xi32, #tpu.memory_space<hbm>>
      tpu.wait_dma2 semaphore(%run_scoped3A : memref<!tpu.dma_semaphore, #tpu.memory_space<semaphore_mem>>) src(%dma_wait3A_66 : memref<1600xi32, #tpu.memory_space<hbm>>) dst(%dma_wait3A_65 : memref<1600xi32, #tpu.memory_space<vmem>>)
      tpu.yield
    }) : () -> ()
    %multiple_of3A_9 = arith.constant 0 : i32
    %multiple_of3A_10 = tpu.assume_multiple %multiple_of3A_9, 1600 : i32
    "tpu.region"() ({
      %run_scoped3A = tpu.sem_alloc : memref<!tpu.dma_semaphore, #tpu.memory_space<semaphore_mem>>
      %dma_start3A_59 = arith.constant 0 : i32
      %dma_start3A_60 = tpu.memref_slice %arg7[%multiple_of3A_10, %dma_start3A_59] : memref<3200x32xf32, #tpu.memory_space<vmem>> -> memref<1600x32xf32, #tpu.memory_space<vmem>>
      %dma_start3A_61 = arith.constant 0 : i32
      %dma_start3A_62 = tpu.memref_slice %arg7[%multiple_of3A_10, %dma_start3A_61] : memref<3200x32xf32, #tpu.memory_space<vmem>> -> memref<1600x32xf32, #tpu.memory_space<vmem>>
      tpu.enqueue_dma source(%arg8 : memref<1600x32xf32, #tpu.memory_space<vmem_shared>>) target(%dma_start3A_62 : memref<1600x32xf32, #tpu.memory_space<vmem>>) target_semaphore(%run_scoped3A : memref<!tpu.dma_semaphore, #tpu.memory_space<semaphore_mem>>)
      %dma_wait3A_63 = arith.constant 0 : i32
      %dma_wait3A_64 = tpu.memref_slice %arg7[%multiple_of3A_10, %dma_wait3A_63] : memref<3200x32xf32, #tpu.memory_space<vmem>> -> memref<1600x32xf32, #tpu.memory_space<vmem>>
      %dma_wait3A_65 = arith.constant 0 : i32
      %dma_wait3A_66 = tpu.memref_slice %arg7[%multiple_of3A_10, %dma_wait3A_65] : memref<3200x32xf32, #tpu.memory_space<vmem>> -> memref<1600x32xf32, #tpu.memory_space<vmem>>
      tpu.wait_dma2 semaphore(%run_scoped3A : memref<!tpu.dma_semaphore, #tpu.memory_space<semaphore_mem>>) src(%arg8 : memref<1600x32xf32, #tpu.memory_space<vmem_shared>>) dst(%dma_wait3A_66 : memref<1600x32xf32, #tpu.memory_space<vmem>>)
      tpu.yield
    }) : () -> ()
    %multiple_of3A_11 = arith.constant 0 : i32
    %multiple_of3A_12 = tpu.assume_multiple %multiple_of3A_11, 1600 : i32
    %dma_start3A = arith.constant 0 : i32
    %dma_start3A_13 = arith.constant 0 : i32
    %dma_start3A_14 = tpu.memref_slice %arg7[%multiple_of3A_12, %dma_start3A_13] : memref<3200x32xf32, #tpu.memory_space<vmem>> -> memref<1600x32xf32, #tpu.memory_space<vmem>>
    %dma_start3A_15 = tpu.memref_slice %arg6[%multiple_of3A_12] : memref<3200xi32, #tpu.memory_space<vmem>> -> memref<1600xi32, #tpu.memory_space<vmem>>
    %dma_start3A_16 = arith.constant 0 : i32
    %dma_start3A_17 = arith.constant 0 : i32
    %dma_start3A_18 = tpu.memref_slice %arg2[%dma_start3A_16, %dma_start3A_17] : memref<1000000x32xf32, #tpu.memory_space<hbm>> -> memref<1000000x32xf32, #tpu.memory_space<hbm>>
    %dma_start3A_19 = tpu.memref_slice %arg9[%dma_start3A] : memref<2x!tpu.dma_semaphore, #tpu.memory_space<semaphore_mem>> -> memref<1x!tpu.dma_semaphore, #tpu.memory_space<semaphore_mem>>
    %dma_start3A_20 = tpu.memref_squeeze %dma_start3A_19 : memref<1x!tpu.dma_semaphore, #tpu.memory_space<semaphore_mem>> -> memref<!tpu.dma_semaphore, #tpu.memory_space<semaphore_mem>>
    tpu.enqueue_indirect_dma source(%dma_start3A_18 : memref<1000000x32xf32, #tpu.memory_space<hbm>>) target(%dma_start3A_14 : memref<1600x32xf32, #tpu.memory_space<vmem>>) offsets(%dma_start3A_15 : memref<1600xi32, #tpu.memory_space<vmem>>) semaphore(%dma_start3A_20 : memref<!tpu.dma_semaphore, #tpu.memory_space<semaphore_mem>>) {add = true}
    %add3A_21 = arith.constant 1600 : i32
    %add3A_22 = arith.addi %mul3A_2, %add3A_21 : i32
    %multiple_of3A_23 = tpu.assume_multiple %add3A_22, 1600 : i32
    %multiple_of3A_24 = arith.constant 1600 : i32
    %multiple_of3A_25 = tpu.assume_multiple %multiple_of3A_24, 1600 : i32
    "tpu.region"() ({
      %run_scoped3A = tpu.sem_alloc : memref<!tpu.dma_semaphore, #tpu.memory_space<semaphore_mem>>
      %dma_start3A_59 = tpu.memref_slice %arg6[%multiple_of3A_25] : memref<3200xi32, #tpu.memory_space<vmem>> -> memref<1600xi32, #tpu.memory_space<vmem>>
      %dma_start3A_60 = tpu.memref_slice %arg3[%multiple_of3A_23] : memref<819200xi32, #tpu.memory_space<hbm>> -> memref<1600xi32, #tpu.memory_space<hbm>>
      %dma_start3A_61 = tpu.memref_slice %arg6[%multiple_of3A_25] : memref<3200xi32, #tpu.memory_space<vmem>> -> memref<1600xi32, #tpu.memory_space<vmem>>
      %dma_start3A_62 = tpu.memref_slice %arg3[%multiple_of3A_23] : memref<819200xi32, #tpu.memory_space<hbm>> -> memref<1600xi32, #tpu.memory_space<hbm>>
      tpu.enqueue_dma source(%dma_start3A_62 : memref<1600xi32, #tpu.memory_space<hbm>>) target(%dma_start3A_61 : memref<1600xi32, #tpu.memory_space<vmem>>) target_semaphore(%run_scoped3A : memref<!tpu.dma_semaphore, #tpu.memory_space<semaphore_mem>>)
      %dma_wait3A_63 = tpu.memref_slice %arg6[%multiple_of3A_25] : memref<3200xi32, #tpu.memory_space<vmem>> -> memref<1600xi32, #tpu.memory_space<vmem>>
      %dma_wait3A_64 = tpu.memref_slice %arg3[%multiple_of3A_23] : memref<819200xi32, #tpu.memory_space<hbm>> -> memref<1600xi32, #tpu.memory_space<hbm>>
      %dma_wait3A_65 = tpu.memref_slice %arg6[%multiple_of3A_25] : memref<3200xi32, #tpu.memory_space<vmem>> -> memref<1600xi32, #tpu.memory_space<vmem>>
      %dma_wait3A_66 = tpu.memref_slice %arg3[%multiple_of3A_23] : memref<819200xi32, #tpu.memory_space<hbm>> -> memref<1600xi32, #tpu.memory_space<hbm>>
      tpu.wait_dma2 semaphore(%run_scoped3A : memref<!tpu.dma_semaphore, #tpu.memory_space<semaphore_mem>>) src(%dma_wait3A_66 : memref<1600xi32, #tpu.memory_space<hbm>>) dst(%dma_wait3A_65 : memref<1600xi32, #tpu.memory_space<vmem>>)
      tpu.yield
    }) : () -> ()
    %scan3A = arith.constant 0 : i32
    %scan3A_26 = arith.constant 16 : i32
    %scan3A_27 = arith.addi %scan3A, %scan3A_26 : i32
    %scan3A_28 = arith.constant 1 : i32
    scf.for %scan3A_59 = %scan3A to %scan3A_27 step %scan3A_28  : i32 {
      %rem3A = arith.constant 2 : i32
      %rem3A_60 = arith.remsi %scan3A_59, %rem3A : i32
      %sub3A = arith.constant 1 : i32
      %sub3A_61 = arith.subi %sub3A, %rem3A_60 : i32
      %mul3A_62 = arith.constant 1600 : i32
      %mul3A_63 = arith.muli %rem3A_60, %mul3A_62 : i32
      %multiple_of3A_64 = tpu.assume_multiple %mul3A_63, 1600 : i32
      %dma_wait3A_65 = arith.constant 0 : i32
      %dma_wait3A_66 = tpu.memref_slice %arg7[%multiple_of3A_64, %dma_wait3A_65] : memref<3200x32xf32, #tpu.memory_space<vmem>> -> memref<1600x32xf32, #tpu.memory_space<vmem>>
      %dma_wait3A_67 = arith.constant 0 : i32
      %dma_wait3A_68 = arith.constant 0 : i32
      %dma_wait3A_69 = tpu.memref_slice %arg2[%dma_wait3A_67, %dma_wait3A_68] : memref<1000000x32xf32, #tpu.memory_space<hbm>> -> memref<1600x32xf32, #tpu.memory_space<hbm>>
      %dma_wait3A_70 = tpu.memref_slice %arg9[%rem3A_60] : memref<2x!tpu.dma_semaphore, #tpu.memory_space<semaphore_mem>> -> memref<1x!tpu.dma_semaphore, #tpu.memory_space<semaphore_mem>>
      %dma_wait3A_71 = tpu.memref_squeeze %dma_wait3A_70 : memref<1x!tpu.dma_semaphore, #tpu.memory_space<semaphore_mem>> -> memref<!tpu.dma_semaphore, #tpu.memory_space<semaphore_mem>>
      %dma_wait3A_72 = arith.constant 0 : i32
      %dma_wait3A_73 = tpu.memref_slice %arg7[%multiple_of3A_64, %dma_wait3A_72] : memref<3200x32xf32, #tpu.memory_space<vmem>> -> memref<1600x32xf32, #tpu.memory_space<vmem>>
      %dma_wait3A_74 = arith.constant 0 : i32
      %dma_wait3A_75 = arith.constant 0 : i32
      %dma_wait3A_76 = tpu.memref_slice %arg2[%dma_wait3A_74, %dma_wait3A_75] : memref<1000000x32xf32, #tpu.memory_space<hbm>> -> memref<1600x32xf32, #tpu.memory_space<hbm>>
      tpu.wait_dma2 semaphore(%dma_wait3A_71 : memref<!tpu.dma_semaphore, #tpu.memory_space<semaphore_mem>>) src(%dma_wait3A_76 : memref<1600x32xf32, #tpu.memory_space<hbm>>) dst(%dma_wait3A_73 : memref<1600x32xf32, #tpu.memory_space<vmem>>)
      %mul3A_77 = arith.constant 1600 : i32
      %mul3A_78 = arith.muli %rem3A_60, %mul3A_77 : i32
      %multiple_of3A_79 = tpu.assume_multiple %mul3A_78, 1600 : i32
      %mul3A_80 = arith.constant 1600 : i32
      %mul3A_81 = arith.muli %scan3A_59, %mul3A_80 : i32
      %add3A_82 = arith.addi %mul3A_2, %mul3A_81 : i32
      %multiple_of3A_83 = tpu.assume_multiple %add3A_82, 1600 : i32
      %dma_start3A_84 = arith.constant 0 : i32
      %dma_start3A_85 = tpu.memref_slice %arg7[%multiple_of3A_79, %dma_start3A_84] : memref<3200x32xf32, #tpu.memory_space<vmem>> -> memref<1600x32xf32, #tpu.memory_space<vmem>>
      %dma_start3A_86 = arith.constant 0 : i32
      %dma_start3A_87 = tpu.memref_slice %arg5[%multiple_of3A_83, %dma_start3A_86] : memref<819200x32xf32, #tpu.memory_space<hbm>> -> memref<1600x32xf32, #tpu.memory_space<hbm>>
      %dma_start3A_88 = tpu.memref_slice %arg10[%rem3A_60] : memref<2x!tpu.dma_semaphore, #tpu.memory_space<semaphore_mem>> -> memref<1x!tpu.dma_semaphore, #tpu.memory_space<semaphore_mem>>
      %dma_start3A_89 = tpu.memref_squeeze %dma_start3A_88 : memref<1x!tpu.dma_semaphore, #tpu.memory_space<semaphore_mem>> -> memref<!tpu.dma_semaphore, #tpu.memory_space<semaphore_mem>>
      %dma_start3A_90 = arith.constant 0 : i32
      %dma_start3A_91 = tpu.memref_slice %arg5[%multiple_of3A_83, %dma_start3A_90] : memref<819200x32xf32, #tpu.memory_space<hbm>> -> memref<1600x32xf32, #tpu.memory_space<hbm>>
      %dma_start3A_92 = arith.constant 0 : i32
      %dma_start3A_93 = tpu.memref_slice %arg7[%multiple_of3A_79, %dma_start3A_92] : memref<3200x32xf32, #tpu.memory_space<vmem>> -> memref<1600x32xf32, #tpu.memory_space<vmem>>
      tpu.enqueue_dma source(%dma_start3A_93 : memref<1600x32xf32, #tpu.memory_space<vmem>>) target(%dma_start3A_91 : memref<1600x32xf32, #tpu.memory_space<hbm>>) target_semaphore(%dma_start3A_89 : memref<!tpu.dma_semaphore, #tpu.memory_space<semaphore_mem>>)
      %add3A_94 = arith.constant 2 : i32
      %add3A_95 = arith.addi %scan3A_59, %add3A_94 : i32
      %lt3A = arith.constant 16 : i32
      %lt3A_96 = arith.cmpi slt, %add3A_95, %lt3A : i32
      %convert_element_type3A_97 = arith.extui %lt3A_96 : i1 to i32
      %cond3A_98 = arith.constant 0 : i32
      %cond3A_99 = arith.cmpi ne, %convert_element_type3A_97, %cond3A_98 : i32
      scf.if %cond3A_99 {
        %add3A_107 = arith.constant 2 : i32
        %add3A_108 = arith.addi %scan3A_59, %add3A_107 : i32
        %mul3A_109 = arith.constant 1600 : i32
        %mul3A_110 = arith.muli %add3A_108, %mul3A_109 : i32
        %add3A_111 = arith.addi %mul3A_2, %mul3A_110 : i32
        %multiple_of3A_112 = tpu.assume_multiple %add3A_111, 1600 : i32
        %mul3A_113 = arith.constant 1600 : i32
        %mul3A_114 = arith.muli %rem3A_60, %mul3A_113 : i32
        %multiple_of3A_115 = tpu.assume_multiple %mul3A_114, 1600 : i32
        "tpu.region"() ({
          %run_scoped3A = tpu.sem_alloc : memref<!tpu.dma_semaphore, #tpu.memory_space<semaphore_mem>>
          %dma_start3A_116 = tpu.memref_slice %arg6[%multiple_of3A_115] : memref<3200xi32, #tpu.memory_space<vmem>> -> memref<1600xi32, #tpu.memory_space<vmem>>
          %dma_start3A_117 = tpu.memref_slice %arg3[%multiple_of3A_112] : memref<819200xi32, #tpu.memory_space<hbm>> -> memref<1600xi32, #tpu.memory_space<hbm>>
          %dma_start3A_118 = tpu.memref_slice %arg6[%multiple_of3A_115] : memref<3200xi32, #tpu.memory_space<vmem>> -> memref<1600xi32, #tpu.memory_space<vmem>>
          %dma_start3A_119 = tpu.memref_slice %arg3[%multiple_of3A_112] : memref<819200xi32, #tpu.memory_space<hbm>> -> memref<1600xi32, #tpu.memory_space<hbm>>
          tpu.enqueue_dma source(%dma_start3A_119 : memref<1600xi32, #tpu.memory_space<hbm>>) target(%dma_start3A_118 : memref<1600xi32, #tpu.memory_space<vmem>>) target_semaphore(%run_scoped3A : memref<!tpu.dma_semaphore, #tpu.memory_space<semaphore_mem>>)
          %dma_wait3A_120 = tpu.memref_slice %arg6[%multiple_of3A_115] : memref<3200xi32, #tpu.memory_space<vmem>> -> memref<1600xi32, #tpu.memory_space<vmem>>
          %dma_wait3A_121 = tpu.memref_slice %arg3[%multiple_of3A_112] : memref<819200xi32, #tpu.memory_space<hbm>> -> memref<1600xi32, #tpu.memory_space<hbm>>
          %dma_wait3A_122 = tpu.memref_slice %arg6[%multiple_of3A_115] : memref<3200xi32, #tpu.memory_space<vmem>> -> memref<1600xi32, #tpu.memory_space<vmem>>
          %dma_wait3A_123 = tpu.memref_slice %arg3[%multiple_of3A_112] : memref<819200xi32, #tpu.memory_space<hbm>> -> memref<1600xi32, #tpu.memory_space<hbm>>
          tpu.wait_dma2 semaphore(%run_scoped3A : memref<!tpu.dma_semaphore, #tpu.memory_space<semaphore_mem>>) src(%dma_wait3A_123 : memref<1600xi32, #tpu.memory_space<hbm>>) dst(%dma_wait3A_122 : memref<1600xi32, #tpu.memory_space<vmem>>)
          tpu.yield
        }) : () -> ()
      } else {
      }
      %add3A_100 = arith.constant 1 : i32
      %add3A_101 = arith.addi %scan3A_59, %add3A_100 : i32
      %lt3A_102 = arith.constant 16 : i32
      %lt3A_103 = arith.cmpi slt, %add3A_101, %lt3A_102 : i32
      %convert_element_type3A_104 = arith.extui %lt3A_103 : i1 to i32
      %cond3A_105 = arith.constant 0 : i32
      %cond3A_106 = arith.cmpi ne, %convert_element_type3A_104, %cond3A_105 : i32
      scf.if %cond3A_106 {
        %gt3A = arith.constant 0 : i32
        %gt3A_107 = arith.cmpi sgt, %scan3A_59, %gt3A : i32
        %convert_element_type3A_108 = arith.extui %gt3A_107 : i1 to i32
        %cond3A_109 = arith.constant 0 : i32
        %cond3A_110 = arith.cmpi ne, %convert_element_type3A_108, %cond3A_109 : i32
        scf.if %cond3A_110 {
          %mul3A_125 = arith.constant 1600 : i32
          %mul3A_126 = arith.muli %sub3A_61, %mul3A_125 : i32
          %multiple_of3A_127 = tpu.assume_multiple %mul3A_126, 1600 : i32
          %dma_wait3A_128 = arith.constant 0 : i32
          %dma_wait3A_129 = tpu.memref_slice %arg7[%multiple_of3A_127, %dma_wait3A_128] : memref<3200x32xf32, #tpu.memory_space<vmem>> -> memref<1600x32xf32, #tpu.memory_space<vmem>>
          %dma_wait3A_130 = arith.constant 0 : i32
          %dma_wait3A_131 = arith.constant 0 : i32
          %dma_wait3A_132 = tpu.memref_slice %arg5[%dma_wait3A_130, %dma_wait3A_131] : memref<819200x32xf32, #tpu.memory_space<hbm>> -> memref<1600x32xf32, #tpu.memory_space<hbm>>
          %dma_wait3A_133 = tpu.memref_slice %arg10[%sub3A_61] : memref<2x!tpu.dma_semaphore, #tpu.memory_space<semaphore_mem>> -> memref<1x!tpu.dma_semaphore, #tpu.memory_space<semaphore_mem>>
          %dma_wait3A_134 = tpu.memref_squeeze %dma_wait3A_133 : memref<1x!tpu.dma_semaphore, #tpu.memory_space<semaphore_mem>> -> memref<!tpu.dma_semaphore, #tpu.memory_space<semaphore_mem>>
          %dma_wait3A_135 = arith.constant 0 : i32
          %dma_wait3A_136 = arith.constant 0 : i32
          %dma_wait3A_137 = tpu.memref_slice %arg5[%dma_wait3A_135, %dma_wait3A_136] : memref<819200x32xf32, #tpu.memory_space<hbm>> -> memref<1600x32xf32, #tpu.memory_space<hbm>>
          %dma_wait3A_138 = arith.constant 0 : i32
          %dma_wait3A_139 = tpu.memref_slice %arg7[%multiple_of3A_127, %dma_wait3A_138] : memref<3200x32xf32, #tpu.memory_space<vmem>> -> memref<1600x32xf32, #tpu.memory_space<vmem>>
          tpu.wait_dma2 semaphore(%dma_wait3A_134 : memref<!tpu.dma_semaphore, #tpu.memory_space<semaphore_mem>>) src(%dma_wait3A_139 : memref<1600x32xf32, #tpu.memory_space<vmem>>) dst(%dma_wait3A_137 : memref<1600x32xf32, #tpu.memory_space<hbm>>)
        } else {
        }
        %mul3A_111 = arith.constant 1600 : i32
        %mul3A_112 = arith.muli %sub3A_61, %mul3A_111 : i32
        %multiple_of3A_113 = tpu.assume_multiple %mul3A_112, 1600 : i32
        "tpu.region"() ({
          %run_scoped3A = tpu.sem_alloc : memref<!tpu.dma_semaphore, #tpu.memory_space<semaphore_mem>>
          %dma_start3A_125 = arith.constant 0 : i32
          %dma_start3A_126 = tpu.memref_slice %arg7[%multiple_of3A_113, %dma_start3A_125] : memref<3200x32xf32, #tpu.memory_space<vmem>> -> memref<1600x32xf32, #tpu.memory_space<vmem>>
          %dma_start3A_127 = arith.constant 0 : i32
          %dma_start3A_128 = tpu.memref_slice %arg7[%multiple_of3A_113, %dma_start3A_127] : memref<3200x32xf32, #tpu.memory_space<vmem>> -> memref<1600x32xf32, #tpu.memory_space<vmem>>
          tpu.enqueue_dma source(%arg8 : memref<1600x32xf32, #tpu.memory_space<vmem_shared>>) target(%dma_start3A_128 : memref<1600x32xf32, #tpu.memory_space<vmem>>) target_semaphore(%run_scoped3A : memref<!tpu.dma_semaphore, #tpu.memory_space<semaphore_mem>>)
          %dma_wait3A_129 = arith.constant 0 : i32
          %dma_wait3A_130 = tpu.memref_slice %arg7[%multiple_of3A_113, %dma_wait3A_129] : memref<3200x32xf32, #tpu.memory_space<vmem>> -> memref<1600x32xf32, #tpu.memory_space<vmem>>
          %dma_wait3A_131 = arith.constant 0 : i32
          %dma_wait3A_132 = tpu.memref_slice %arg7[%multiple_of3A_113, %dma_wait3A_131] : memref<3200x32xf32, #tpu.memory_space<vmem>> -> memref<1600x32xf32, #tpu.memory_space<vmem>>
          tpu.wait_dma2 semaphore(%run_scoped3A : memref<!tpu.dma_semaphore, #tpu.memory_space<semaphore_mem>>) src(%arg8 : memref<1600x32xf32, #tpu.memory_space<vmem_shared>>) dst(%dma_wait3A_132 : memref<1600x32xf32, #tpu.memory_space<vmem>>)
          tpu.yield
        }) : () -> ()
        %mul3A_114 = arith.constant 1600 : i32
        %mul3A_115 = arith.muli %sub3A_61, %mul3A_114 : i32
        %multiple_of3A_116 = tpu.assume_multiple %mul3A_115, 1600 : i32
        %dma_start3A_117 = arith.constant 0 : i32
        %dma_start3A_118 = tpu.memref_slice %arg7[%multiple_of3A_116, %dma_start3A_117] : memref<3200x32xf32, #tpu.memory_space<vmem>> -> memref<1600x32xf32, #tpu.memory_space<vmem>>
        %dma_start3A_119 = tpu.memref_slice %arg6[%multiple_of3A_116] : memref<3200xi32, #tpu.memory_space<vmem>> -> memref<1600xi32, #tpu.memory_space<vmem>>
        %dma_start3A_120 = arith.constant 0 : i32
        %dma_start3A_121 = arith.constant 0 : i32
        %dma_start3A_122 = tpu.memref_slice %arg2[%dma_start3A_120, %dma_start3A_121] : memref<1000000x32xf32, #tpu.memory_space<hbm>> -> memref<1000000x32xf32, #tpu.memory_space<hbm>>
        %dma_start3A_123 = tpu.memref_slice %arg9[%sub3A_61] : memref<2x!tpu.dma_semaphore, #tpu.memory_space<semaphore_mem>> -> memref<1x!tpu.dma_semaphore, #tpu.memory_space<semaphore_mem>>
        %dma_start3A_124 = tpu.memref_squeeze %dma_start3A_123 : memref<1x!tpu.dma_semaphore, #tpu.memory_space<semaphore_mem>> -> memref<!tpu.dma_semaphore, #tpu.memory_space<semaphore_mem>>
        tpu.enqueue_indirect_dma source(%dma_start3A_122 : memref<1000000x32xf32, #tpu.memory_space<hbm>>) target(%dma_start3A_118 : memref<1600x32xf32, #tpu.memory_space<vmem>>) offsets(%dma_start3A_119 : memref<1600xi32, #tpu.memory_space<vmem>>) semaphore(%dma_start3A_124 : memref<!tpu.dma_semaphore, #tpu.memory_space<semaphore_mem>>) {add = true}
      } else {
      }
    }
    %scan3A_29 = arith.constant 16 : i32
    %multiple_of3A_30 = arith.constant 0 : i32
    %multiple_of3A_31 = tpu.assume_multiple %multiple_of3A_30, 1600 : i32
    %dma_wait3A = arith.constant 0 : i32
    %dma_wait3A_32 = arith.constant 0 : i32
    %dma_wait3A_33 = tpu.memref_slice %arg7[%multiple_of3A_31, %dma_wait3A_32] : memref<3200x32xf32, #tpu.memory_space<vmem>> -> memref<1600x32xf32, #tpu.memory_space<vmem>>
    %dma_wait3A_34 = arith.constant 0 : i32
    %dma_wait3A_35 = arith.constant 0 : i32
    %dma_wait3A_36 = tpu.memref_slice %arg5[%dma_wait3A_34, %dma_wait3A_35] : memref<819200x32xf32, #tpu.memory_space<hbm>> -> memref<1600x32xf32, #tpu.memory_space<hbm>>
    %dma_wait3A_37 = tpu.memref_slice %arg10[%dma_wait3A] : memref<2x!tpu.dma_semaphore, #tpu.memory_space<semaphore_mem>> -> memref<1x!tpu.dma_semaphore, #tpu.memory_space<semaphore_mem>>
    %dma_wait3A_38 = tpu.memref_squeeze %dma_wait3A_37 : memref<1x!tpu.dma_semaphore, #tpu.memory_space<semaphore_mem>> -> memref<!tpu.dma_semaphore, #tpu.memory_space<semaphore_mem>>
    %dma_wait3A_39 = arith.constant 0 : i32
    %dma_wait3A_40 = arith.constant 0 : i32
    %dma_wait3A_41 = tpu.memref_slice %arg5[%dma_wait3A_39, %dma_wait3A_40] : memref<819200x32xf32, #tpu.memory_space<hbm>> -> memref<1600x32xf32, #tpu.memory_space<hbm>>
    %dma_wait3A_42 = arith.constant 0 : i32
    %dma_wait3A_43 = tpu.memref_slice %arg7[%multiple_of3A_31, %dma_wait3A_42] : memref<3200x32xf32, #tpu.memory_space<vmem>> -> memref<1600x32xf32, #tpu.memory_space<vmem>>
    tpu.wait_dma2 semaphore(%dma_wait3A_38 : memref<!tpu.dma_semaphore, #tpu.memory_space<semaphore_mem>>) src(%dma_wait3A_43 : memref<1600x32xf32, #tpu.memory_space<vmem>>) dst(%dma_wait3A_41 : memref<1600x32xf32, #tpu.memory_space<hbm>>)
    %multiple_of3A_44 = arith.constant 1600 : i32
    %multiple_of3A_45 = tpu.assume_multiple %multiple_of3A_44, 1600 : i32
    %dma_wait3A_46 = arith.constant 1 : i32
    %dma_wait3A_47 = arith.constant 0 : i32
    %dma_wait3A_48 = tpu.memref_slice %arg7[%multiple_of3A_45, %dma_wait3A_47] : memref<3200x32xf32, #tpu.memory_space<vmem>> -> memref<1600x32xf32, #tpu.memory_space<vmem>>
    %dma_wait3A_49 = arith.constant 0 : i32
    %dma_wait3A_50 = arith.constant 0 : i32
    %dma_wait3A_51 = tpu.memref_slice %arg5[%dma_wait3A_49, %dma_wait3A_50] : memref<819200x32xf32, #tpu.memory_space<hbm>> -> memref<1600x32xf32, #tpu.memory_space<hbm>>
    %dma_wait3A_52 = tpu.memref_slice %arg10[%dma_wait3A_46] : memref<2x!tpu.dma_semaphore, #tpu.memory_space<semaphore_mem>> -> memref<1x!tpu.dma_semaphore, #tpu.memory_space<semaphore_mem>>
    %dma_wait3A_53 = tpu.memref_squeeze %dma_wait3A_52 : memref<1x!tpu.dma_semaphore, #tpu.memory_space<semaphore_mem>> -> memref<!tpu.dma_semaphore, #tpu.memory_space<semaphore_mem>>
    %dma_wait3A_54 = arith.constant 0 : i32
    %dma_wait3A_55 = arith.constant 0 : i32
    %dma_wait3A_56 = tpu.memref_slice %arg5[%dma_wait3A_54, %dma_wait3A_55] : memref<819200x32xf32, #tpu.memory_space<hbm>> -> memref<1600x32xf32, #tpu.memory_space<hbm>>
    %dma_wait3A_57 = arith.constant 0 : i32
    %dma_wait3A_58 = tpu.memref_slice %arg7[%multiple_of3A_45, %dma_wait3A_57] : memref<3200x32xf32, #tpu.memory_space<vmem>> -> memref<1600x32xf32, #tpu.memory_space<vmem>>
    tpu.wait_dma2 semaphore(%dma_wait3A_53 : memref<!tpu.dma_semaphore, #tpu.memory_space<semaphore_mem>>) src(%dma_wait3A_58 : memref<1600x32xf32, #tpu.memory_space<vmem>>) dst(%dma_wait3A_56 : memref<1600x32xf32, #tpu.memory_space<hbm>>)
    return
  }
}

</mosaic_0001>

<sc_bundles>
// kernel: kernel.3.cloned.1.call-start
scs
__scs_entry_jumppad:
0x0: {  	(pc) =	sbr.rel $0x88, $3  }
0x1: {  	(tag) =	ssettag $0x0;
	lr =	simm.s32 $0x1  }
0x2: {  	[smem:$0x3F9E] =	sst lr;
	_ =	strace $0xD0000000  }
0x3: {  	_ = 	snop  }
0x4: {  	_ = 	snop  }
0x5: {  	_ = 	snop  }
0x6: {  	_ = 	snop  }
0x7: {  	_ = 	snop  }
__scs_overlays_trampoline_lowered:
0x8: {  	[smem:$0x3FAD] =	sst s0  }
0x9: {  	[smem:$0x3FAE] =	sst s1  }
0xa: {  	[smem:$0x3FAF] =	sst s2  }
0xb: {  	[smem:$0x3FB0] =	sst s3  }
0xc: {  	[smem:$0x3FB1] =	sst s4  }
0xd: {  	[smem:$0x3FB2] =	sst s5  }
0xe: {  	[smem:$0x3FB3] =	sst s6  }
0xf: {  	[smem:$0x3FB4] =	sst s7  }
0x10: {  	[smem:$0x3FB5] =	sst s8  }
0x11: {  	[smem:$0x3FB6] =	sst s9;
	s0 =	simm.s32 @!p0 $0x0  }
0x12: {  	s1 =	sld [smem:$0x3F9C];
	s0 =	simm.s32 @p0 $0x1  }
0x13: {  	[smem:$0x3FB7] =	sst s0;
	s0 =	simm.s32 @!p1 $0x0  }
0x14: {  	s2 =	sld [smem:$0x3F9B];
	s0 =	simm.s32 @p1 $0x1  }
0x15: {  	[smem:$0x3FB8] =	sst s0;
	s0 =	simm.s32 @!p2 $0x0  }
0x16: {  	s3 =	sld [smem:$0x3FDB];
	s0 =	simm.s32 @p2 $0x1  }
0x17: {  	s4 =	simm.s32 $0x1BF5;
	[smem:$0x3FBA] =	sst s0  }
0x18: {  	s0 =	sld [smem:$0x3F9D];
	_ =	swait.ge [sflag:s4], $0x0  }
0x19: {  	s7 =	sld [smem:$0x3F9E]  }
0x1a: {  	s8 =	sadd.s32 $0xFFFFE003, lr  }
0x1b: {  	s9 =	sadd.s32 $0xFFFFFEF7, lr;
	s5 =	simm.s32 $0xFFFFFFFF;
	p2 =	slt.u32 s8, $0xFFFFF086  }
0x1c: {  	p1 =	slt.u32 s9, $0xF7A;
	s5 =	simm.s32 @!p2 $0x0  }
0x1d: {  	s5 =	simm.s32 @p1 $0x1;
	p0 =	seq.s32 s7, s2  }
0x1e: {  	s7 =	smul.u32 @!p0 $0xF7A, s2;
	p2 =	seq.s32 @!p0 s5, $0x0  }
0x1f: {  	s9 =	smul.u32 $0xF7A, s1;
	s8 =	simm.s32 @!p0 $0x1BF5;
	p2 =	por !p2, p0  }
0x20: {  	[sflag:s8] =	ssyncset.s32 @!p0 $0xFFFFF086;
	s6 =	sadd.s32 @!p0 s3, s7;
	s7 =	simm.s32 @!p0 $0x108  }
0x21: {  	s3 =	sadd.s32 s3, s9;
	s6 =	sadd.s32 @!p0 $0x88, s6;
	s7 =	simm.s32 @p2 $0x1082  }
0x22: {  	[simem:s7], [sflag:s8] =	dma.local @!p0 [hbm:s6], $0xF7A  }
0x23: {  	s9 =	sor.u32 $0xD0000000, s2;
	s6 =	simm.s32 $0x108;
	_ =	swait.ge @!p0 [sflag:s8], $0x0  }
0x24: {  	s3 =	sadd.s32 $0x88, s3;
	s6 =	simm.s32 @!p1 $0x1082;
	[sflag:s4] =	ssyncset.s32 $0xFFFFF086  }
0x25: {  	[simem:s6], [sflag:s4] =	dma.local [hbm:s3], $0xF7A  }
0x26: {  	[smem:$0x3F9E] =	sst s1;
	(tag) =	ssettag s2;
	_ =	strace s9  }
0x27: {  	s1 =	sld [smem:$0x3FAE]  }
0x28: {  	s2 =	sld [smem:$0x3FAF]  }
0x29: {  	s4 =	sld [smem:$0x3FB1]  }
0x2a: {  	p0 =	seq.s32 s5, $0x0;
	s5 =	sld [smem:$0x3FB2]  }
0x2b: {  	s6 =	sld [smem:$0x3FB3]  }
0x2c: {  	s7 =	sld [smem:$0x3FB4]  }
0x2d: {  	s3 =	simm.s32 $0x108;
	s8 =	sld [smem:$0x3FB5]  }
0x2e: {  	s3 =	simm.s32 @!p0 $0x1082;
	s9 =	sld [smem:$0x3FB6]  }
0x2f: {  	lr =	sadd.s32 s0, s3;
	s0 =	sld [smem:$0x3FAD]  }
0x30: {  	s3 =	sld [smem:$0x3FB0]  }
0x31: {  	[smem:$0x3FB9] =	sst s10  }
0x32: {  	s10 =	sld [smem:$0x3FB7];
	_ =	sdelay $0x3  }
0x33: {  	p0 =	seq.s32 s10, $0x1;
	s10 =	sld [smem:$0x3FB9];
	_ =	sdelay $0x3  }
0x34: {  	[smem:$0x3FB9] =	sst s10  }
0x35: {  	s10 =	sld [smem:$0x3FB8];
	_ =	sdelay $0x3  }
0x36: {  	p1 =	seq.s32 s10, $0x1;
	s10 =	sld [smem:$0x3FB9];
	_ =	sdelay $0x3  }
0x37: {  	[smem:$0x3FB9] =	sst s10  }
0x38: {  	s10 =	sld [smem:$0x3FBA]  }
0x39: {  	_ = 	snop;
	(pc) =	sbr.ind lr, $3  }
0x3a: {  	_ = 	snop  }
0x3b: {  	_ = 	snop  }
0x3c: {  	p2 =	seq.s32 s10, $0x1;
	s10 =	sld [smem:$0x3FB9]  }
0x3d: {  	_ =	shalt  }
0x3e: {  	_ =	shalt  }
0x3f: {  	_ =	shalt  }
0x40: {  	_ =	shalt  }
0x41: {  	_ =	shalt  }
0x42: {  	_ =	shalt  }
0x43: {  	_ =	shalt  }
0x44: {  	_ =	shalt  }
0x45: {  	_ =	shalt  }
0x46: {  	_ =	shalt  }
0x47: {  	_ =	shalt  }
0x48: {  	_ =	shalt  }
0x49: {  	_ =	shalt  }
0x4a: {  	_ =	shalt  }
0x4b: {  	_ =	shalt  }
0x4c: {  	_ =	shalt  }
0x4d: {  	_ =	shalt  }
0x4e: {  	_ =	shalt  }
0x4f: {  	_ =	shalt  }
0x50: {  	_ =	shalt  }
0x51: {  	_ =	shalt  }
0x52: {  	_ =	shalt  }
0x53: {  	_ =	shalt  }
0x54: {  	_ =	shalt  }
0x55: {  	_ =	shalt  }
0x56: {  	_ =	shalt  }
0x57: {  	_ =	shalt  }
0x58: {  	_ =	shalt  }
0x59: {  	_ =	shalt  }
0x5a: {  	_ =	shalt  }
0x5b: {  	_ =	shalt  }
0x5c: {  	_ =	shalt  }
0x5d: {  	_ =	shalt  }
0x5e: {  	_ =	shalt  }
0x5f: {  	_ =	shalt  }
0x60: {  	_ =	shalt  }
0x61: {  	_ =	shalt  }
0x62: {  	_ =	shalt  }
0x63: {  	_ =	shalt  }
0x64: {  	_ =	shalt  }
0x65: {  	_ =	shalt  }
0x66: {  	_ =	shalt  }
0x67: {  	_ =	shalt  }
0x68: {  	_ =	shalt  }
0x69: {  	_ =	shalt  }
0x6a: {  	_ =	shalt  }
0x6b: {  	_ =	shalt  }
0x6c: {  	_ =	shalt  }
0x6d: {  	_ =	shalt  }
0x6e: {  	_ =	shalt  }
0x6f: {  	_ =	shalt  }
0x70: {  	_ =	shalt  }
0x71: {  	_ =	shalt  }
0x72: {  	_ =	shalt  }
0x73: {  	_ =	shalt  }
0x74: {  	_ =	shalt  }
0x75: {  	_ =	shalt  }
0x76: {  	_ =	shalt  }
0x77: {  	_ =	shalt  }
0x78: {  	_ =	shalt  }
0x79: {  	_ =	shalt  }
0x7a: {  	_ =	shalt  }
0x7b: {  	_ =	shalt  }
0x7c: {  	_ =	shalt  }
0x7d: {  	_ =	shalt  }
0x7e: {  	_ =	shalt  }
0x7f: {  	_ =	shalt  }
0x80: {  	_ =	shalt  }
0x81: {  	_ =	shalt  }
0x82: {  	_ =	shalt  }
0x83: {  	_ =	shalt  }
0x84: {  	_ =	shalt  }
0x85: {  	_ =	shalt  }
0x86: {  	_ =	shalt  }
0x87: {  	_ =	shalt  }
.Lfunc_end0:
.L_simem_size_0:
called_computation.1_lowered:
.L_overlay_start_0:
0x88: {  	s2 =	sld [smem:$0x3FD9]  }
0x89: {  	s3 =	sld [smem:$0x3FFE];
	_ =	sdelay $0x1  }
0x8a: {  	s1 =	srdreg.scid  }
0x8b: {  	s0 =	sand.u32 $0x1, s1  }
0x8c: {  	s17 =	sshll.u32 s0, $0xA;
	s2 =	sadd.s32 s3, s2  }
0x8d: {  	s2 =	sadd.s32 s2, s17  }
0x8e: {  	[smem:$0x3FC5] =	sst s2  }
0x8f: {  	_ = 	snop  }
0x90: {  	s2 =	sld [smem:$0x3FD0];
	(tm) =	ssettm $0x1  }
0x91: {  	s18 =	sld [smem:$0x3FFB];
	_ =	sdelay $0x3  }
0x92: {  	_ =	strace s18  }
0x93: {  	s3 =	sld [smem:$0x3FFC];
	_ =	sdelay $0x3  }
0x94: {  	_ =	strace s3  }
0x95: {  	s3 =	sld [smem:$0x3FFD];
	_ =	sdelay $0x3  }
0x96: {  	_ =	strace s3  }
0x97: {  	_ =	strace $0x8FFFFFFF  }
0x98: {  	s19 =	sld [smem:$0x3FDB];
	_ =	sdelay $0x1  }
0x99: {  	s4 =	simm.s32 $_scs_section_size  }
0x9a: {  	s5 =	simm.s32 $_size__tile_overlayer_lowered;
	s6 =	simm.s32 $_tile_overlayer_lowered  }
0x9b: {  	s22 =	simm.s32 $0x1BFF;
	s21 =	sshll.u32 s6, $0x1;
	s3 =	sadd.s32 s4, s19  }
0x9c: {  	s7 =	simm.s32 $0x0;
	s20 =	sshll.u32 s5, $0x1;
	s5 =	sadd.s32 s21, s3  }
0x9d: {  	[timem:s7], [sflag:s22] =	dma.local [hbm:s5], s20  }
0x9e: {  	_ =	swait.ge [sflag:s22], s20  }
0x9f: {  	s4 =	ssub.s32 $0x0, s20;
	[sflag:s22] =	ssyncset.done $0x0  }
0xa0: {  	[sflag:s22] =	ssyncadd.s32 s4;
	_ =	sdelay $0x1  }
0xa1: {  	s23 =	simm.s32 $0x1B8B  }
0xa2: {  	_ =	swait.ge [sflag:s23], $0x1  }
0xa3: {  	[sflag:s23] =	ssyncset.done $0x0  }
0xa4: {  	s25 =	simm.s32 $0x1B8E;
	s24 =	sld [smem:$0x3FFE];
	[sflag:s23] =	ssyncadd.s32 $0xFFFFFFFF  }
0xa5: {  	s26 =	simm.s32 $execute0_lowered;
	[smem:$0x3FD2] =	sst s25  }
0xa6: {  	s5 =	sshll.u32 s26, $0x1;
	_ =	strace $0x80000046;
	[dreg:$0x1] =	wrdreg $0xFFFFFFFF  }
0xa7: {  	s28 =	simm.s32 $_size_execute0_lowered;
	s3 =	sadd.s32 s3, s5;
	[dreg:$0x0] =	wrdreg $0x0  }
0xa8: {  	s5 =	sshll.u32 s28, $0x1;
	[dreg:$0x2] =	wrdreg s3  }
0xa9: {  	[dreg:$0x3] =	wrdreg s5  }
0xaa: {  	[dreg:$0x4] =	wrdreg $0xC0  }
0xab: {  	_ =	task [dreg:s7], $0x5FFFF  }
0xac: {  	[dreg:$0x1] =	wrdreg $0xFFFFFFFF  }
0xad: {  	[dreg:$0x0] =	wrdreg $0x60  }
0xae: {  	[dreg:$0x2] =	wrdreg s24  }
0xaf: {  	[dreg:$0x3] =	wrdreg s2  }
0xb0: {  	[dreg:$0x4] =	wrdreg $0x19C800  }
0xb1: {  	[dreg:$0x5] =	wrdreg $0x9  }
0xb2: {  	_ =	task.clear_ibuf [dreg:s7], $0x6FFFF;
	_ =	strace $0x90000046  }
0xb3: {  	s29 =	simm.s32 $0x9;
	_ =	strace $0x80000048  }
0xb4: {  	_ =	swait.ge [sflag:s29], $0x1  }
0xb5: {  	[sflag:s29] =	ssyncadd.s32 $0xFFFFFFFF  }
0xb6: {  	_ =	strace $0x90000048  }
0xb7: {  	_ =	sfence  }
0xb8: {  	s30 =	sld [smem:$0x0];
	_ =	sdelay $0x2  }
0xb9: {  	s31 =	sshll.u32 s1, $0xD;
	s1 =	sshrl.u32 s1, $0x2  }
0xba: {  	s3 =	sand.u32 $0x4000, s31;
	s1 =	sadd.s32 s1, s30  }
0xbb: {  	s0 =	sor.u32 s3, s0;
	s1 =	sshll.u32 s1, $0x11  }
0xbc: {  	s0 =	sor.u32 s1, s0  }
0xbd: {  	s0 =	sadd.s32 $0x8F2B, s0  }
0xbe: {  	[sflag:s0] =	ssyncadd.remote.s32 $0x1  }
0xbf: {  	_ =	sfence.sel $0xFFFF  }
0xc0: {  	[dreg:$0x0] =	wrdreg $0xFFFFFFFF;
	(pc) =	sbr.abs _section_cstart, $3  }
0xc1: {  	[dreg:$0x1] =	wrdreg $0xFFFFFFFF  }
0xc2: {  	_ =	task.clear_ibuf [dreg:s7], $0x2FFFF;
	_ =	strace $0x9FFFFFFF  }
0xc3: {  	(tm) =	ssettm $0x7FFFFFFF  }
tec
execute0_lowered:
.L_overlay_start_1:
0x0: {  	(tag) =	ssettag $0x1  }
0x1: {  	s4 =	rddreg [dreg:$0x0]  }
0x2: {  	s9 =	rddreg [dreg:$0x1]  }
0x3: {  	s1 =	rddreg [dreg:$0x2]  }
0x4: {  	s0 =	rddreg [dreg:$0x3];
	s2 =	simm.s32 $0x0  }
0x5: {  	s3 =	srdreg.scid;
	s10 =	stileid.u32;
	s22 =	simm.s32 $0x4  }
0x6: {  	s23 =	simm.s32 $0x0;
	[smem:$0x7FF] =	sst s2;
	s8 =	sand.u32 $0x1, s3  }
0x7: {  	s3 =	sadd.s32 $0xF43000, s4;
	s6 =	sshll.u32 s10, $0x1;
	s11 =	sadd.s32 $0xC00, s4  }
0x8: {  	s4 =	sadd.s32 $0x19C00, s4;
	s12 =	sadd.s32 $0x1900, s1;
	s13 =	sadd.s32 $0x3200, s1  }
0x9: {  	s31 =	smul.u32 $0xC800, s10;
	s14 =	sadd.s32 $0x4B00, s1;
	s15 =	sadd.s32 $0x6400, s1  }
0xa: {  	s17 =	sadd.s32 $0x7D00, s1;
	s18 =	sadd.s32 $0x9600, s1;
	s19 =	sadd.s32 $0xAF00, s1  }
0xb: {  	s20 =	smul.u32 $0x32000, s10;
	p0 =	sne.s32 s10, $0x0;
	_ =	strace $0x80000047  }
0xc: {  	s5 =	ssub.s32 $0x2, s8;
	s6 =	sor.u32 s8, s6;
	s16 =	smul.u32 $0x6400, s8  }
0xd: {  	s21 =	smul.u32 $0x19000, s8;
	s10 =	sshrl.u32 @!p0 s1, $0x3;
	s7 =	sshrl.u32 s5, $0x1  }
0xe: {  	s30 =	smul.u32 $0x6400, s6;
	s9 =	sadd.s32 s20, s9;
	s20 =	simm.s32 $0x640  }
0xf: {  	s7 =	ssub.s32 s5, s7;
	s16 =	sadd.s32 s16, s31;
	s9 =	sadd.s32 s21, s9  }
0x10: {  	s21 =	simm.s32 $0x3;
	s5 =	sshrl.u32 s30, $0x3;
	s16 =	sadd.s32 $0xC80, s16  }
.Ltmp0:
0x11: {  	s5 =	sadd.s32 s11, s5;
	s16 =	sshrl.u32 s16, $0x3;
	(pc) =	sbr.rel .LBB2_1-.Ltmp0, $4  }
0x12: {  	s7 =	smax.u32 s7, $0x1;
	s6 =	sadd.s32 $0xC8, s5;
	s8 =	sadd.s32 s16, s11  }
0x13: {  	s11 =	sshrl.u32 @!p0 s12, $0x3;
	s12 =	sshrl.u32 @!p0 s13, $0x3;
	s13 =	sshrl.u32 @!p0 s14, $0x3  }
0x14: {  	s14 =	sshrl.u32 @!p0 s15, $0x3;
	s15 =	sshrl.u32 @!p0 s17, $0x3;
	s16 =	sshrl.u32 @!p0 s18, $0x3  }
0x15: {  	s17 =	sshrl.u32 @!p0 s19, $0x3;
	s18 =	simm.s32 $0x5;
	s19 =	simm.s32 $0xC80  }
.LBB2_6:
0x16: {  	s23 =	sadd.s32 $0x1, s23  }
0x17: {  	_ =	swait.ge [sflag:s21], $0xC800;
	p1 =	sne.s32 s23, s7  }
.Ltmp1:
0x18: {  	[sflag:s21] =	ssyncset.done $0x0;
	(pc) =	sbr.rel @!p1 .LBB2_7-.Ltmp1, $4  }
0x19: {  	[sflag:s21] =	ssyncadd.s32 $0xFFFF3800  }
0x1a: {  	_ =	swait.ge [sflag:s22], $0xC800  }
0x1b: {  	[sflag:s22] =	ssyncset.done $0x0  }
0x1c: {  	[sflag:s22] =	ssyncadd.s32 $0xFFFF3800  }
.LBB2_1:
0x1d: {  	s24 =	simm.s32 @!p0 $0x1C05;
	s25 =	simm.s32 @!p0 $0x5  }
0x1e: {  	[spmem:s10], [sflag:s24] =	dma.local @!p0 [hbm:s4], $0x320  }
0x1f: {  	_ =	swait.ge @!p0 [sflag:s25], $0x320  }
0x20: {  	[sflag:s25] =	ssyncset.done @!p0 $0x0  }
0x21: {  	[sflag:s25] =	ssyncadd.s32 @!p0 $0xFFFFFCE0  }
0x22: {  	[spmem:s11], [sflag:s24] =	dma.local @!p0 [hbm:s4], $0x320  }
0x23: {  	_ =	swait.ge @!p0 [sflag:s25], $0x320  }
0x24: {  	[sflag:s25] =	ssyncset.done @!p0 $0x0  }
0x25: {  	[sflag:s25] =	ssyncadd.s32 @!p0 $0xFFFFFCE0  }
0x26: {  	[spmem:s12], [sflag:s24] =	dma.local @!p0 [hbm:s4], $0x320  }
0x27: {  	_ =	swait.ge @!p0 [sflag:s25], $0x320  }
0x28: {  	[sflag:s25] =	ssyncset.done @!p0 $0x0  }
0x29: {  	[sflag:s25] =	ssyncadd.s32 @!p0 $0xFFFFFCE0  }
0x2a: {  	[spmem:s13], [sflag:s24] =	dma.local @!p0 [hbm:s4], $0x320  }
0x2b: {  	_ =	swait.ge @!p0 [sflag:s25], $0x320  }
0x2c: {  	[sflag:s25] =	ssyncset.done @!p0 $0x0  }
0x2d: {  	[sflag:s25] =	ssyncadd.s32 @!p0 $0xFFFFFCE0  }
0x2e: {  	[spmem:s14], [sflag:s24] =	dma.local @!p0 [hbm:s4], $0x320  }
0x2f: {  	_ =	swait.ge @!p0 [sflag:s25], $0x320  }
0x30: {  	[sflag:s25] =	ssyncset.done @!p0 $0x0  }
0x31: {  	[sflag:s25] =	ssyncadd.s32 @!p0 $0xFFFFFCE0  }
0x32: {  	[spmem:s15], [sflag:s24] =	dma.local @!p0 [hbm:s4], $0x320  }
0x33: {  	_ =	swait.ge @!p0 [sflag:s25], $0x320  }
0x34: {  	[sflag:s25] =	ssyncset.done @!p0 $0x0  }
0x35: {  	[sflag:s25] =	ssyncadd.s32 @!p0 $0xFFFFFCE0  }
0x36: {  	[spmem:s16], [sflag:s24] =	dma.local @!p0 [hbm:s4], $0x320  }
0x37: {  	_ =	swait.ge @!p0 [sflag:s25], $0x320  }
0x38: {  	[sflag:s25] =	ssyncset.done @!p0 $0x0  }
0x39: {  	[sflag:s25] =	ssyncadd.s32 @!p0 $0xFFFFFCE0  }
0x3a: {  	[spmem:s17], [sflag:s24] =	dma.local @!p0 [hbm:s4], $0x320  }
0x3b: {  	_ =	swait.ge @!p0 [sflag:s25], $0x320  }
0x3c: {  	[sflag:s25] =	ssyncset.done @!p0 $0x0  }
0x3d: {  	[sflag:s25] =	ssyncadd.s32 @!p0 $0xFFFFFCE0  }
0x3e: {  	[bflag:$0x0] =	sbarrier.arrive $0xFFFF  }
0x3f: {  	[tilespmem:s2], [sflag:$0x5] =	stream.linear.gather [hbm4b:s5+s2], $0x640, $0x38;
	[tilespmem:$0x1A900] =	vst v63  }
0x40: {  	_ =	swait.ge [sflag:s18], $0x640  }
0x41: {  	[sflag:s18] =	ssyncset.done $0x0  }
0x42: {  	[sflag:s18] =	ssyncadd.s32 $0xFFFFF9C0  }
0x43: {  	[tilespmem:s19], [sflag:$0x5] =	stream.linear.gather [spmem:s1], $0xC800, $0x38;
	[tilespmem:$0x1A900] =	vst v63  }
0x44: {  	_ =	swait.ge [sflag:s18], $0xC800  }
0x45: {  	[sflag:s18] =	ssyncset.done $0x0  }
0x46: {  	[sflag:s18] =	ssyncadd.s32 $0xFFFF3800  }
0x47: {  	[tilespmem:s19], [sflag:$0x1] =	stream.indirect.gather.add.f32 [hbm:s3], $0x20, s2, s20, $0xb8;
	[tilespmem:$0x1A900] =	vst v63  }
.Ltmp2:
0x48: {  	_ = 	snop;
	(pc) =	sbr.rel .LBB2_2-.Ltmp2, $4  }
0x49: {  	[tilespmem:s20], [sflag:$0x5] =	stream.linear.gather [hbm4b:s6+s2], $0x640, $0x38;
	[tilespmem:$0x1A900] =	vst v63  }
0x4a: {  	_ =	swait.ge [sflag:s18], $0x640  }
0x4b: {  	s26 =	simm.s32 $0x0;
	[sflag:s18] =	ssyncset.done $0x0  }
0x4c: {  	s24 =	smov.u32 s9;
	s25 =	smov.u32 s8;
	[sflag:s18] =	ssyncadd.s32 $0xFFFFF9C0  }
.LBB2_5:
0x4d: {  	s29 =	smul.u32 $0x32000, s28;
	_ =	sdelay $0x1  }
0x4e: {  	s26 =	sadd.s32 $0x1, s26;
	s29 =	sshrl.u32 s29, $0x2  }
0x4f: {  	p1 =	sne.s32 s26, $0x10;
	s29 =	sadd.s32 $0xC80, s29  }
0x50: {  	[tilespmem:s29], [sflag:$0x5] =	stream.linear.gather [spmem:s1], $0xC800, $0x38;
	[tilespmem:$0x1A900] =	vst v63  }
.Ltmp3:
0x51: {  	_ = 	snop;
	(pc) =	sbr.rel @!p1 .LBB2_6-.Ltmp3, $4  }
0x52: {  	s30 =	smul.u32 $0x1900, s28;
	_ =	swait.ge [sflag:s18], $0xC800  }
0x53: {  	s31 =	sadd.s32 $0x1, s28;
	s25 =	sadd.s32 $0xC8, s25;
	[sflag:s18] =	ssyncset.done $0x0  }
0x54: {  	s24 =	sadd.s32 $0x1900, s24;
	s30 =	sshrl.u32 s30, $0x2;
	[sflag:s18] =	ssyncadd.s32 $0xFFFF3800  }
0x55: {  	[tilespmem:s29], [sflag:s31] =	stream.indirect.gather.add.f32 [hbm:s3], $0x20, s30, s20, $0xb8;
	[tilespmem:$0x1A900] =	vst v63  }
.LBB2_2:
0x56: {  	s28 =	sand.u32 $0x1, s26  }
0x57: {  	s29 =	sadd.s32 $0x1, s28;
	s30 =	smul.u32 $0x32000, s28  }
0x58: {  	p1 =	sgt.u32 s26, $0xD;
	_ =	swait.ge [sflag:s29], $0xC800  }
0x59: {  	[sflag:s29] =	ssyncset.done $0x0;
	s31 =	sshrl.u32 s30, $0x2;
	s30 =	sadd.s32 $0x3, s28  }
0x5a: {  	[sflag:s29] =	ssyncadd.s32 $0xFFFF3800;
	s29 =	sadd.s32 $0xC80, s31;
	s31 =	smul.u32 @!p1 $0x1900, s28  }
0x5b: {  	[hbm4b:s24+s2] =	stream.linear.scatter [tilespmem:s29], [sflag:s30], $0xC800, $0x38;
	[tilespmem:$0x1A900] =	vst v63  }
0x5c: {  	p2 =	seq.s32 s26, $0x0;
	s30 =	simm.s32 @!p1 $0x0;
	s29 =	sshrl.u32 @!p1 s31, $0x2  }
0x5d: {  	[tilespmem:s29], [sflag:$0x5] =	stream.linear.gather @!p1 [hbm4b:s25+s30], $0x640, $0x38;
	[tilespmem:$0x1A900] =	vst v63  }
.Ltmp4:
0x5e: {  	_ = 	snop;
	(pc) =	sbr.rel @p2 .LBB2_5-.Ltmp4, $4  }
0x5f: {  	s29 =	simm.s32 @!p1 $0x5  }
0x60: {  	_ =	swait.ge @!p1 [sflag:s29], $0x640  }
0x61: {  	[sflag:s29] =	ssyncset.done @!p1 $0x0  }
0x62: {  	s28 =	sxor.u32 $0x1, s28;
	[sflag:s29] =	ssyncadd.s32 @!p1 $0xFFFFF9C0  }
0x63: {  	p1 =	seq.s32 s26, $0xF  }
.Ltmp5:
0x64: {  	_ = 	snop;
	(pc) =	sbr.rel @p1 .LBB2_6-.Ltmp5, $1  }
0x65: {  	_ =	sdelay $0x3  }
.Ltmp6:
0x66: {  	(pc) =	sbr.rel .LBB2_5-.Ltmp6, $4  }
0x67: {  	s29 =	sadd.s32 $0x3, s28  }
0x68: {  	_ =	swait.ge [sflag:s29], $0xC800  }
0x69: {  	[sflag:s29] =	ssyncset.done $0x0  }
0x6a: {  	[sflag:s29] =	ssyncadd.s32 $0xFFFF3800  }
.LBB2_7:
0x6b: {  	_ =	sfence.sel $0x180000  }
0x6c: {  	[bflag:$0x0] =	sbarrier.arrive $0xFFFF  }
0x6d: {  	_ =	strace $0x90000047  }
0x6e: {  	s0 =	sadd.s32 @!p0 $0x100000, s0;
	[bflag:$0x2] =	sbarrier.arrive $0xFFFF  }
0x6f: {  	[sflag:s0] =	ssyncadd.tile.s32 @!p0 $0x1;
	_ =	shalt  }
.Lfunc_end2:
_tile_overlayer_lowered:
.L_overlay_start_2:
0x70: {  	(tag) =	ssettag $0x2  }
0x71: {  	s0 =	rddreg [dreg:$0x0];
	s2 =	stileid.u32  }
0x72: {  	s1 =	rddreg [dreg:$0x1];
	p0 =	sne.s32 s2, $0x0  }
0x73: {  	s3 =	rddreg [dreg:$0x2];
	[bflag:$0x3] =	sbarrier.arrive $0xFFFF;
	s2 =	simm.s32 @!p0 $0x1C05  }
0x74: {  	[timem:s3], [sflag:s2] =	dma.local @!p0 [hbm:s0], s1  }
0x75: {  	s0 =	simm.s32 @!p0 $0x5  }
0x76: {  	_ =	swait.ge @!p0 [sflag:s0], s1  }
0x77: {  	s1 =	ssub.s32 @!p0 $0x0, s1;
	[sflag:s0] =	ssyncset.done @!p0 $0x0  }
0x78: {  	[sflag:s0] =	ssyncadd.s32 @!p0 s1  }
0x79: {  	[bflag:$0x3] =	sbarrier.arrive $0xFFFF  }
0x7a: {  	_ =	shalt  }

// kernel: sparse-core-data-format-call.cloned.1.call-start
scs
called_computation_lowered:
.L_overlay_start_0:
0x0: {  	s2 =	sld [smem:$0x3FD9]  }
0x1: {  	s3 =	sld [smem:$0x3FFE];
	_ =	sdelay $0x1  }
0x2: {  	s1 =	srdreg.scid  }
0x3: {  	s0 =	sand.u32 $0x1, s1  }
0x4: {  	s18 =	sshll.u32 s0, $0xA;
	s2 =	sadd.s32 s3, s2  }
0x5: {  	s2 =	sadd.s32 s2, s18  }
0x6: {  	[smem:$0x3FC5] =	sst s2  }
0x7: {  	_ = 	snop  }
0x8: {  	s2 =	sld [smem:$0x3FD0];
	(tm) =	ssettm $0x1  }
0x9: {  	s19 =	sld [smem:$0x3FFB];
	_ =	sdelay $0x3  }
0xa: {  	_ =	strace s19  }
0xb: {  	s3 =	sld [smem:$0x3FFC];
	_ =	sdelay $0x3  }
0xc: {  	_ =	strace s3  }
0xd: {  	s3 =	sld [smem:$0x3FFD];
	_ =	sdelay $0x3  }
0xe: {  	_ =	strace s3  }
0xf: {  	_ =	strace $0x8FFFFFFF  }
0x10: {  	s20 =	sld [smem:$0x3FDB];
	_ =	sdelay $0x1  }
0x11: {  	s4 =	simm.s32 $_scs_section_size  }
0x12: {  	s5 =	simm.s32 $_size__tile_overlayer_lowered;
	s6 =	simm.s32 $_tile_overlayer_lowered  }
0x13: {  	s23 =	simm.s32 $0x1BFF;
	s22 =	sshll.u32 s6, $0x1;
	s3 =	sadd.s32 s4, s20  }
0x14: {  	s7 =	simm.s32 $0x0;
	s21 =	sshll.u32 s5, $0x1;
	s5 =	sadd.s32 s22, s3  }
0x15: {  	[timem:s7], [sflag:s23] =	dma.local [hbm:s5], s21  }
0x16: {  	_ =	swait.ge [sflag:s23], s21  }
0x17: {  	s4 =	ssub.s32 $0x0, s21;
	[sflag:s23] =	ssyncset.done $0x0  }
0x18: {  	[sflag:s23] =	ssyncadd.s32 s4;
	_ =	sdelay $0x1  }
0x19: {  	s24 =	simm.s32 $0x1B8B  }
0x1a: {  	_ =	swait.ge [sflag:s24], $0x1  }
0x1b: {  	[sflag:s24] =	ssyncset.done $0x0  }
0x1c: {  	s26 =	simm.s32 $0x1B8E;
	s25 =	sld [smem:$0x3FFE];
	[sflag:s24] =	ssyncadd.s32 $0xFFFFFFFF  }
0x1d: {  	s27 =	simm.s32 $execute0_lowered;
	[smem:$0x3FD2] =	sst s26  }
0x1e: {  	s5 =	sshll.u32 s27, $0x1;
	_ =	strace $0x80000049;
	[dreg:$0x1] =	wrdreg $0xFFFFFFFF  }
0x1f: {  	s28 =	simm.s32 $_size_execute0_lowered;
	s3 =	sadd.s32 s3, s5;
	[dreg:$0x0] =	wrdreg $0x0  }
0x20: {  	s5 =	sshll.u32 s28, $0x1;
	[dreg:$0x2] =	wrdreg s3  }
0x21: {  	[dreg:$0x3] =	wrdreg s5  }
0x22: {  	[dreg:$0x4] =	wrdreg $0xC0  }
0x23: {  	_ =	task [dreg:s7], $0x5FFFF  }
0x24: {  	[dreg:$0x1] =	wrdreg $0xFFFFFFFF  }
0x25: {  	[dreg:$0x0] =	wrdreg $0x60  }
0x26: {  	[dreg:$0x2] =	wrdreg s25  }
0x27: {  	[dreg:$0x3] =	wrdreg s2  }
0x28: {  	[dreg:$0x4] =	wrdreg $0x9  }
0x29: {  	_ =	task.clear_ibuf [dreg:s7], $0x5FFFF;
	_ =	strace $0x90000049  }
0x2a: {  	s29 =	simm.s32 $0x9;
	_ =	strace $0x8000004B  }
0x2b: {  	_ =	swait.ge [sflag:s29], $0x1  }
0x2c: {  	[sflag:s29] =	ssyncadd.s32 $0xFFFFFFFF  }
0x2d: {  	_ =	strace $0x9000004B  }
0x2e: {  	_ =	sfence  }
0x2f: {  	s30 =	sld [smem:$0x0];
	_ =	sdelay $0x2  }
0x30: {  	s31 =	sshll.u32 s1, $0xD;
	s1 =	sshrl.u32 s1, $0x2  }
0x31: {  	s3 =	sand.u32 $0x4000, s31;
	s1 =	sadd.s32 s1, s30  }
0x32: {  	s0 =	sor.u32 s3, s0;
	s1 =	sshll.u32 s1, $0x11  }
0x33: {  	s0 =	sor.u32 s1, s0  }
0x34: {  	s0 =	sadd.s32 $0x8F2B, s0  }
0x35: {  	[sflag:s0] =	ssyncadd.remote.s32 $0x1  }
0x36: {  	_ =	sfence.sel $0xFFFF  }
0x37: {  	[dreg:$0x0] =	wrdreg $0xFFFFFFFF;
	(pc) =	sbr.abs _section_cstart, $3  }
0x38: {  	[dreg:$0x1] =	wrdreg $0xFFFFFFFF  }
0x39: {  	_ =	task.clear_ibuf [dreg:s7], $0x2FFFF;
	_ =	strace $0x9FFFFFFF  }
0x3a: {  	(tm) =	ssettm $0x7FFFFFFF  }
0x3b: {  	_ =	shalt  }
tec
execute0_lowered:
.L_overlay_start_1:
0x0: {  	(tag) =	ssettag $0x1  }
0x1: {  	s0 =	srdreg.scid  }
0x2: {  	s1 =	sshll.u32 s0, $0x4  }
0x3: {  	s0 =	stileid.u32;
	s1 =	sand.u32 $0x10, s1  }
0x4: {  	s1 =	sor.u32 s0, s1  }
0x5: {  	s6 =	rddreg [dreg:$0x0];
	s4 =	simm.s32 $0x1;
	s2 =	sshll.u32 s1, $0x7  }
0x6: {  	s7 =	simm.s32 $0x2;
	s12 =	simm.s32 $0x0;
	s1 =	ssub.s32 $0x1000, s2  }
0x7: {  	s8 =	simm.s32 $0x8000;
	s13 =	simm.s32 $0x0;
	s3 =	sand.u32 $0xF80, s1  }
0x8: {  	s9 =	simm.s32 $0x0;
	s5 =	sshrl.u32 s1, $0xC;
	p0 =	sne.s32 s3, $0x0  }
.Ltmp0:
0x9: {  	s1 =	rddreg [dreg:$0x2];
	s4 =	simm.s32 @!p0 $0x0;
	(pc) =	sbr.rel .LBB1_1-.Ltmp0, $4  }
0xa: {  	s11 =	simm.s32 $0x0;
	s3 =	rddreg [dreg:$0x1];
	s5 =	sadd.s32 s4, s5  }
0xb: {  	_ =	strace $0x8000004A;
	s4 =	simm.s32 $0x1;
	s5 =	smul.u32 $0xC8, s5  }
0xc: {  	s6 =	sadd.s32 $0xC00, s6;
	s10 =	smov.u32 s2;
	[sflag:s4] =	ssyncpa.u1 $0x0  }
0xd: {  	p0 =	por $0x0, $0x0;
	[sflag:s7] =	ssyncpa.u1 $0x0;
	s7 =	sor.u32 $0x1, s5  }
.LBB1_4:
0xe: {  	s16 =	sshll.u32 s13, $0x3;
	s17 =	sand.u32 $0x78, s13  }
0xf: {  	s30 =	sand.u32 $0x3E00, s13;
	s12 =	sshll.u32 s12, $0xE;
	s16 =	sand.u32 $0xC00, s16  }
0x10: {  	s31 =	sand.u32 $0x7, s13;
	s16 =	sor.u32 s17, s16;
	s17 =	sadd.s32 s3, s30  }
0x11: {  	s13 =	sshll.u32 s31, $0x12;
	s16 =	sshrl.u32 s16, $0x3;
	s12 =	sadd.s32 s12, s17  }
0x12: {  	[tilespmem:s15+$0x0 ss:$0x81] =	vst.msk $0xffff, v0;
	s13 =	sor.u32 $0x400, s13;
	s12 =	sadd.s32 s16, s12  }
0x13: {  	[hbm4b:s12+s13] =	stream.strided.scatter [tilespmem:s14], [sflag:$0x2], $0x1000, s8, s13, $0x20;
	[tilespmem:$0x4040] =	vst v63  }
.LBB1_5:
0x14: {  	s14 =	sadd.s32 $0x1, s9  }
0x15: {  	s12 =	sadd.s32 $0x1000, s10;
	s16 =	smov.u32 s10;
	p2 =	sgt.s32 s14, $0xC7  }
0x16: {  	s16 =	smov.u32 @p2 s12  }
0x17: {  	s14 =	simm.s32 @p2 $0x0;
	p2 =	sgt.s32 s16, $0xFFF  }
0x18: {  	s16 =	smov.u32 @p2 s2;
	p2 =	sne.s32 s11, s7  }
.Ltmp1:
0x19: {  	p1 =	slt.u32 s11, $0x2;
	(pc) =	sbr.rel @!p2 .LBB1_6-.Ltmp1, $4  }
0x1a: {  	s15 =	simm.s32 @!p1 $0x2  }
0x1b: {  	s13 =	smov.u32 s10;
	p0 =	por !p0, !p0;
	_ =	swait.ge @!p1 [sflag:s15], $0x1000  }
0x1c: {  	s12 =	smov.u32 s9;
	[sflag:s15] =	ssyncset.done @!p1 $0x0;
	s9 =	smov.u32 s14  }
0x1d: {  	s11 =	sadd.s32 $0x1, s11;
	[sflag:s15] =	ssyncadd.s32 @!p1 $0xFFFFF000;
	s10 =	smov.u32 s16  }
.LBB1_1:
0x1e: {  	p1 =	sge.u32 s11, s5  }
0x1f: {  	s14 =	sand.u32 @!p1 $0x1FFFFFF, s9  }
0x20: {  	s15 =	smulhi.u32 @!p1 $0x147AE15, s14;
	_ =	sdelay $0x1  }
0x21: {  	s15 =	smul.u32 @!p1 $0xC8, s15  }
0x22: {  	s16 =	sxor.u32 @!p1 $0xFFFFFFFF, s11;
	s17 =	smul.u32 @!p1 $0xC80, s10  }
0x23: {  	s31 =	sadd.s32 $0xFFFFFFFF, s11;
	s16 =	sshll.u32 @!p1 s16, $0xC;
	s14 =	ssub.s32 @!p1 s14, s15  }
0x24: {  	s15 =	sand.u32 @!p1 $0x1000, s16;
	s16 =	sadd.s32 @!p1 s6, s17;
	s14 =	sshll.u32 @!p1 s14, $0x4  }
0x25: {  	s17 =	simm.s32 @!p1 $0x6400;
	s14 =	sadd.s32 @!p1 s14, s16;
	s16 =	simm.s32 @!p1 $0x20  }
0x26: {  	[tilespmem:s15], [sflag:$0x1] =	stream.strided.gather @!p1 [hbm4b:s14+s16], $0x1000, s17, s16, $0x38;
	[tilespmem:$0x4040] =	vst v63  }
0x27: {  	p1 =	sge.u32 s31, s5  }
.Ltmp2:
0x28: {  	_ = 	snop;
	(pc) =	sbr.rel @p1 .LBB1_5-.Ltmp2, $1  }
0x29: {  	_ =	sdelay $0x3  }
0x2a: {  	s14 =	simm.s32 $0x1  }
0x2b: {  	_ =	swait.ge [sflag:s4], $0x1000;
	s14 =	simm.s32 @!p0 $0x0  }
0x2c: {  	[sflag:s4] =	ssyncset.done $0x0;
	s15 =	sshll.u32 s14, $0xC  }
0x2d: {  	[sflag:s4] =	ssyncadd.s32 $0xFFFFF000;
	s18 =	sor.u32 $0x10, s15  }
0x2e: {  	s14 =	smul.u32 $0x4080, s14;
	v1 =	vld [tilespmem:s18+$0x0]  }
0x2f: {  	s30 =	sand.u32 $0x1, s11;
	v0 =	vld [tilespmem:s18+$0xFFFFFFF0]  }
0x30: {  	s15 =	smul.u32 $0x4080, s30;
	s14 =	sshrl.u32 s14, $0x2  }
0x31: {  	s16 =	sor.u32 $0x2000, s14  }
0x32: {  	s31 =	sshrl.u32 s15, $0x2;
	s15 =	sadd.s32 $0x0, s16  }
0x33: {  	s17 =	simm.s32 $0x4;
	s18 =	sadd.s32 $0x20, s18;
	s14 =	sor.u32 $0x2000, s31;
	[tilespmem:s15+$0x810 ss:$0x81] =	vst.msk $0xffff, v1  }
.LBB1_3:
0x34: {  	v1 =	vld [tilespmem:s18+$0x0];
	p1 =	sne.s32 s17, $0x1FC;
	[tilespmem:s15+$0x0 ss:$0x81] =	vst.msk $0xffff, v0;
	s15 =	smov.u32 s17;
	s17 =	sadd.s32 $0x4, s17  }
.Ltmp3:
0x35: {  	v0 =	vld [tilespmem:s18+$0xFFFFFFF0];
	(pc) =	sbr.rel @p1 .LBB1_3-.Ltmp3, $4  }
0x36: {  	_ = 	snop  }
0x37: {  	s15 =	sshra.s32 s15, $0x2  }
0x38: {  	s15 =	sadd.s32 s15, s16  }
0x39: {  	s18 =	sadd.s32 $0x20, s18;
	[tilespmem:s15+$0x810 ss:$0x81] =	vst.msk $0xffff, v1  }
.Ltmp4:
0x3a: {  	_ = 	snop;
	(pc) =	sbr.rel .LBB1_4-.Ltmp4, $1  }
0x3b: {  	_ =	sdelay $0x3  }
.LBB1_6:
0x3c: {  	_ =	sfence.sel $0x180000  }
0x3d: {  	s2 =	simm.s32 $0x1;
	[bflag:$0x0] =	sbarrier.arrive $0xFFFF  }
0x3e: {  	s31 =	simm.s32 $0x2;
	[sflag:s2] =	ssyncpa.u1 $0x1  }
0x3f: {  	[sflag:s31] =	ssyncpa.u1 $0x1  }
0x40: {  	p0 =	sne.s32 s0, $0x0;
	_ =	strace $0x9000004A  }
0x41: {  	s0 =	sadd.s32 @!p0 $0x100000, s1;
	[bflag:$0x2] =	sbarrier.arrive $0xFFFF  }
0x42: {  	[sflag:s0] =	ssyncadd.tile.s32 @!p0 $0x1;
	_ =	shalt  }
.Lfunc_end1:
_tile_overlayer_lowered:
.L_overlay_start_2:
0x43: {  	(tag) =	ssettag $0x2  }
0x44: {  	s0 =	rddreg [dreg:$0x0];
	s2 =	stileid.u32  }
0x45: {  	s1 =	rddreg [dreg:$0x1];
	p0 =	sne.s32 s2, $0x0  }
0x46: {  	s3 =	rddreg [dreg:$0x2];
	[bflag:$0x3] =	sbarrier.arrive $0xFFFF;
	s2 =	simm.s32 @!p0 $0x1C01  }
0x47: {  	[timem:s3], [sflag:s2] =	dma.local @!p0 [hbm:s0], s1  }
0x48: {  	s0 =	simm.s32 @!p0 $0x1  }
0x49: {  	_ =	swait.ge @!p0 [sflag:s0], s1  }
0x4a: {  	s1 =	ssub.s32 @!p0 $0x0, s1;
	[sflag:s0] =	ssyncset.done @!p0 $0x0  }
0x4b: {  	[sflag:s0] =	ssyncadd.s32 @!p0 s1  }
0x4c: {  	[bflag:$0x3] =	sbarrier.arrive $0xFFFF  }
0x4d: {  	_ =	shalt  }

</sc_bundles>
